<compile_context>
chip_gen: v7x
topology: tpu7x:2x2x1
jax: 0.10.2.dev20260603
libtpu: 0.0.44.dev20260713+nightly
codegen_flags: <defaults>
</compile_context>

<pallas_src>
import functools

import jax
import jax.numpy as jnp
from jax import lax
from jax.experimental import pallas as pl
from jax.experimental.pallas import tpu as pltpu
from jax.experimental.pallas import tpu_sc as plsc

_CHUNK = 128
_NBUF = 5
_K = 3


def _embed_lookup(table, idx2d, n_rows, n_workers):
    rows_per_w = n_rows // n_workers
    chunks_per_w = rows_per_w // _CHUNK
    n_outer = chunks_per_w // _NBUF
    d = table.shape[1]
    mesh = plsc.VectorSubcoreMesh(core_axis_name="c", subcore_axis_name="s")
    num_cores = mesh.num_cores

    @functools.partial(
        pl.kernel,
        out_type=jax.ShapeDtypeStruct((n_rows, d), table.dtype),
        mesh=mesh,
        scratch_types=[
            pltpu.VMEM((chunks_per_w, _CHUNK), jnp.int32),
            pltpu.VMEM((_NBUF, _CHUNK, d), table.dtype),
            pltpu.VMEM_SHARED(table.shape, table.dtype),
            [pltpu.SemaphoreType.DMA] * _NBUF,
            [pltpu.SemaphoreType.DMA] * _NBUF,
        ],
    )
    def run(table_hbm, idx_hbm, out_hbm, idx_v, rows_v, table_sp, gsems,
            ssems):
        sid = lax.axis_index("s")
        wid = sid * num_cores + lax.axis_index("c")
        base = wid * rows_per_w

        @pl.when(sid == 0)
        def _():
            pltpu.sync_copy(table_hbm, table_sp)

        pltpu.sync_copy(idx_hbm.at[pl.ds(wid * chunks_per_w, chunks_per_w)],
                        idx_v)
        plsc.subcore_barrier()

        def gather(chunk, buf):
            return pltpu.make_async_copy(
                table_sp.at[idx_v.at[chunk]], rows_v.at[buf], gsems[buf])

        def scatter(chunk, buf):
            return pltpu.make_async_copy(
                rows_v.at[buf],
                out_hbm.at[pl.ds(base + chunk * _CHUNK, _CHUNK)],
                ssems[buf])

        for b in range(_K):
            gather(b, b).start()

        def step(c, b, *, wait_prev_scatter, do_prefetch):
            gather(c, b).wait()
            scatter(c, b).start()
            bp = (b + _K) % _NBUF
            if wait_prev_scatter:
                scatter(c - (_NBUF - _K), bp).wait()
            if do_prefetch:
                gather(c + _K, bp).start()

        for b in range(_NBUF):
            step(b, b, wait_prev_scatter=b >= _NBUF - _K, do_prefetch=True)

        def outer(t, carry):
            for b in range(_NBUF):
                step(t * _NBUF + b, b, wait_prev_scatter=True,
                     do_prefetch=True)
            return carry

        lax.fori_loop(1, n_outer - 1, outer, 0)

        for b in range(_NBUF):
            c = (n_outer - 1) * _NBUF + b
            step(c, b, wait_prev_scatter=True,
                 do_prefetch=c + _K < chunks_per_w)

        for i in range(_NBUF - _K):
            c = chunks_per_w - (_NBUF - _K) + i
            scatter(0, c % _NBUF).wait()

    return run(table, idx2d)


def kernel(discrete_actions, discrete_embed_weight):
    bsz, seq = discrete_actions.shape
    n_rows = bsz * seq
    idx2d = discrete_actions.astype(jnp.int32).reshape(n_rows // _CHUNK, _CHUNK)
    out = _embed_lookup(discrete_embed_weight, idx2d, n_rows, n_workers=32)
    return out.reshape(bsz, seq, discrete_embed_weight.shape[1])

# --- scband reference (transcript-rebuilt; emitter-appended) ---
"""Pipeline reference for scband-action-embedding-15393162789059 (READ-ONLY COPY).

The authoritative reference and input builder live on the scoring server;
editing this copy changes nothing except your own understanding.
"""

import jax, jax.numpy as jnp
import numpy as np


def setup_inputs(seed: int = 0) -> dict:
    key = jax.random.key(seed)
    k1, k2 = jax.random.split(key)
    discrete_actions = jax.random.randint(k1, (4096, 200), 0, 1000, dtype=jnp.int64 if jax.config.read('jax_enable_x64') else jnp.int32)
    # Embedding table: nn.Embedding(1000, 128), default init N(0,1)
    discrete_embed_weight = jax.random.normal(k2, (1000, 128), dtype=jnp.float32)
    return {"discrete_actions": discrete_actions, "discrete_embed_weight": discrete_embed_weight}


def reference(discrete_actions, discrete_embed_weight):
    # Faithful translation of ActionEmbedding.forward with discrete_actions provided:
    # return self.discrete_embed(discrete_actions)
    return jnp.take(discrete_embed_weight, discrete_actions, axis=0)

if __name__ == "__main__":
    import jax
    _d = setup_inputs()
    print(jax.jit(kernel)(*tuple(_d.values())))

</pallas_src>

<mosaic_0001>
#map = affine_map<(d0, d1) -> (0, 0)>
module attributes {stable_mosaic.version = 14 : i64} {
  func.func @run(%arg0: i32, %arg1: i32, %arg2: memref<1000x128xf32, #tpu.memory_space<hbm>>, %arg3: memref<6400x128xi32, #tpu.memory_space<hbm>>, %arg4: memref<819200x128xf32, #tpu.memory_space<hbm>>, %arg5: memref<200x128xi32, #tpu.memory_space<vmem>>, %arg6: memref<5x128x128xf32, #tpu.memory_space<vmem>>, %arg7: memref<1000x128xf32, #tpu.memory_space<vmem_shared>>, %arg8: memref<!tpu.dma_semaphore, #tpu.memory_space<semaphore_mem>>, %arg9: memref<!tpu.dma_semaphore, #tpu.memory_space<semaphore_mem>>, %arg10: memref<!tpu.dma_semaphore, #tpu.memory_space<semaphore_mem>>, %arg11: memref<!tpu.dma_semaphore, #tpu.memory_space<semaphore_mem>>, %arg12: memref<!tpu.dma_semaphore, #tpu.memory_space<semaphore_mem>>, %arg13: memref<!tpu.dma_semaphore, #tpu.memory_space<semaphore_mem>>, %arg14: memref<!tpu.dma_semaphore, #tpu.memory_space<semaphore_mem>>, %arg15: memref<!tpu.dma_semaphore, #tpu.memory_space<semaphore_mem>>, %arg16: memref<!tpu.dma_semaphore, #tpu.memory_space<semaphore_mem>>, %arg17: memref<!tpu.dma_semaphore, #tpu.memory_space<semaphore_mem>>) attributes {dimension_semantics = [#tpu.dimension_semantics<core_parallel>, #tpu.dimension_semantics<subcore_parallel>], iteration_bounds = array<i64: 2, 16>, scalar_prefetch = 0 : i64, scratch_operands = 13 : i64, tpu.core_type = #tpu.core_type<sc_vector_subcore>, window_params = [{transform_indices = #map}, {transform_indices = #map}, {transform_indices = #map}]} {
    %mul3A = arith.constant 2 : i32
    %mul3A_0 = arith.muli %arg1, %mul3A : i32
    %add3A = arith.addi %mul3A_0, %arg0 : i32
    %mul3A_1 = arith.constant 25600 : i32
    %mul3A_2 = arith.muli %add3A, %mul3A_1 : i32
    %eq3A = arith.constant 0 : i32
    %eq3A_3 = arith.cmpi eq, %arg1, %eq3A : i32
    %convert_element_type3A = arith.extui %eq3A_3 : i1 to i32
    %cond3A = arith.constant 0 : i32
    %cond3A_4 = arith.cmpi ne, %convert_element_type3A, %cond3A : i32
    scf.if %cond3A_4 {
      "tpu.region"() ({
        %run_scoped3A = tpu.sem_alloc : memref<!tpu.dma_semaphore, #tpu.memory_space<semaphore_mem>>
        tpu.enqueue_dma source(%arg2 : memref<1000x128xf32, #tpu.memory_space<hbm>>) target(%arg7 : memref<1000x128xf32, #tpu.memory_space<vmem_shared>>) target_semaphore(%run_scoped3A : memref<!tpu.dma_semaphore, #tpu.memory_space<semaphore_mem>>)
        tpu.wait_dma2 semaphore(%run_scoped3A : memref<!tpu.dma_semaphore, #tpu.memory_space<semaphore_mem>>) src(%arg2 : memref<1000x128xf32, #tpu.memory_space<hbm>>) dst(%arg7 : memref<1000x128xf32, #tpu.memory_space<vmem_shared>>)
        tpu.yield
      }) : () -> ()
    } else {
    }
    %mul3A_5 = arith.constant 200 : i32
    %mul3A_6 = arith.muli %add3A, %mul3A_5 : i32
    "tpu.region"() ({
      %run_scoped3A = tpu.sem_alloc : memref<!tpu.dma_semaphore, #tpu.memory_space<semaphore_mem>>
      %dma_start3A_550 = arith.constant 0 : i32
      %dma_start3A_551 = tpu.memref_slice %arg3[%mul3A_6, %dma_start3A_550] : memref<6400x128xi32, #tpu.memory_space<hbm>> -> memref<200x128xi32, #tpu.memory_space<hbm>>
      %dma_start3A_552 = arith.constant 0 : i32
      %dma_start3A_553 = tpu.memref_slice %arg3[%mul3A_6, %dma_start3A_552] : memref<6400x128xi32, #tpu.memory_space<hbm>> -> memref<200x128xi32, #tpu.memory_space<hbm>>
      tpu.enqueue_dma source(%dma_start3A_553 : memref<200x128xi32, #tpu.memory_space<hbm>>) target(%arg5 : memref<200x128xi32, #tpu.memory_space<vmem>>) target_semaphore(%run_scoped3A : memref<!tpu.dma_semaphore, #tpu.memory_space<semaphore_mem>>)
      %dma_wait3A_554 = arith.constant 0 : i32
      %dma_wait3A_555 = tpu.memref_slice %arg3[%mul3A_6, %dma_wait3A_554] : memref<6400x128xi32, #tpu.memory_space<hbm>> -> memref<200x128xi32, #tpu.memory_space<hbm>>
      %dma_wait3A_556 = arith.constant 0 : i32
      %dma_wait3A_557 = tpu.memref_slice %arg3[%mul3A_6, %dma_wait3A_556] : memref<6400x128xi32, #tpu.memory_space<hbm>> -> memref<200x128xi32, #tpu.memory_space<hbm>>
      tpu.wait_dma2 semaphore(%run_scoped3A : memref<!tpu.dma_semaphore, #tpu.memory_space<semaphore_mem>>) src(%dma_wait3A_557 : memref<200x128xi32, #tpu.memory_space<hbm>>) dst(%arg5 : memref<200x128xi32, #tpu.memory_space<vmem>>)
      tpu.yield
    }) : () -> ()
    %barrier3A = arith.constant 0 : index
    tpu.barrier barrier_id(%barrier3A)
    %dma_start3A = arith.constant 0 : i32
    %dma_start3A_7 = arith.constant 0 : i32
    %dma_start3A_8 = arith.constant 0 : i32
    %dma_start3A_9 = arith.constant 0 : i32
    %dma_start3A_10 = tpu.memref_slice %arg6[%dma_start3A_7, %dma_start3A_8, %dma_start3A_9] : memref<5x128x128xf32, #tpu.memory_space<vmem>> -> memref<1x128x128xf32, #tpu.memory_space<vmem>>
    %dma_start3A_11 = tpu.memref_squeeze %dma_start3A_10 : memref<1x128x128xf32, #tpu.memory_space<vmem>> -> memref<128x128xf32, #tpu.memory_space<vmem>>
    %dma_start3A_12 = arith.constant 0 : i32
    %dma_start3A_13 = tpu.memref_slice %arg5[%dma_start3A, %dma_start3A_12] : memref<200x128xi32, #tpu.memory_space<vmem>> -> memref<1x128xi32, #tpu.memory_space<vmem>>
    %dma_start3A_14 = tpu.memref_squeeze %dma_start3A_13 : memref<1x128xi32, #tpu.memory_space<vmem>> -> memref<128xi32, #tpu.memory_space<vmem>>
    %dma_start3A_15 = arith.constant 0 : i32
    %dma_start3A_16 = arith.constant 0 : i32
    %dma_start3A_17 = tpu.memref_slice %arg7[%dma_start3A_15, %dma_start3A_16] : memref<1000x128xf32, #tpu.memory_space<vmem_shared>> -> memref<1000x128xf32, #tpu.memory_space<vmem_shared>>
    tpu.enqueue_indirect_dma source(%dma_start3A_17 : memref<1000x128xf32, #tpu.memory_space<vmem_shared>>) target(%dma_start3A_11 : memref<128x128xf32, #tpu.memory_space<vmem>>) offsets(%dma_start3A_14 : memref<128xi32, #tpu.memory_space<vmem>>) semaphore(%arg8 : memref<!tpu.dma_semaphore, #tpu.memory_space<semaphore_mem>>)
    %dma_start3A_18 = arith.constant 1 : i32
    %dma_start3A_19 = arith.constant 1 : i32
    %dma_start3A_20 = arith.constant 0 : i32
    %dma_start3A_21 = arith.constant 0 : i32
    %dma_start3A_22 = tpu.memref_slice %arg6[%dma_start3A_19, %dma_start3A_20, %dma_start3A_21] : memref<5x128x128xf32, #tpu.memory_space<vmem>> -> memref<1x128x128xf32, #tpu.memory_space<vmem>>
    %dma_start3A_23 = tpu.memref_squeeze %dma_start3A_22 : memref<1x128x128xf32, #tpu.memory_space<vmem>> -> memref<128x128xf32, #tpu.memory_space<vmem>>
    %dma_start3A_24 = arith.constant 0 : i32
    %dma_start3A_25 = tpu.memref_slice %arg5[%dma_start3A_18, %dma_start3A_24] : memref<200x128xi32, #tpu.memory_space<vmem>> -> memref<1x128xi32, #tpu.memory_space<vmem>>
    %dma_start3A_26 = tpu.memref_squeeze %dma_start3A_25 : memref<1x128xi32, #tpu.memory_space<vmem>> -> memref<128xi32, #tpu.memory_space<vmem>>
    %dma_start3A_27 = arith.constant 0 : i32
    %dma_start3A_28 = arith.constant 0 : i32
    %dma_start3A_29 = tpu.memref_slice %arg7[%dma_start3A_27, %dma_start3A_28] : memref<1000x128xf32, #tpu.memory_space<vmem_shared>> -> memref<1000x128xf32, #tpu.memory_space<vmem_shared>>
    tpu.enqueue_indirect_dma source(%dma_start3A_29 : memref<1000x128xf32, #tpu.memory_space<vmem_shared>>) target(%dma_start3A_23 : memref<128x128xf32, #tpu.memory_space<vmem>>) offsets(%dma_start3A_26 : memref<128xi32, #tpu.memory_space<vmem>>) semaphore(%arg9 : memref<!tpu.dma_semaphore, #tpu.memory_space<semaphore_mem>>)
    %dma_start3A_30 = arith.constant 2 : i32
    %dma_start3A_31 = arith.constant 2 : i32
    %dma_start3A_32 = arith.constant 0 : i32
    %dma_start3A_33 = arith.constant 0 : i32
    %dma_start3A_34 = tpu.memref_slice %arg6[%dma_start3A_31, %dma_start3A_32, %dma_start3A_33] : memref<5x128x128xf32, #tpu.memory_space<vmem>> -> memref<1x128x128xf32, #tpu.memory_space<vmem>>
    %dma_start3A_35 = tpu.memref_squeeze %dma_start3A_34 : memref<1x128x128xf32, #tpu.memory_space<vmem>> -> memref<128x128xf32, #tpu.memory_space<vmem>>
    %dma_start3A_36 = arith.constant 0 : i32
    %dma_start3A_37 = tpu.memref_slice %arg5[%dma_start3A_30, %dma_start3A_36] : memref<200x128xi32, #tpu.memory_space<vmem>> -> memref<1x128xi32, #tpu.memory_space<vmem>>
    %dma_start3A_38 = tpu.memref_squeeze %dma_start3A_37 : memref<1x128xi32, #tpu.memory_space<vmem>> -> memref<128xi32, #tpu.memory_space<vmem>>
    %dma_start3A_39 = arith.constant 0 : i32
    %dma_start3A_40 = arith.constant 0 : i32
    %dma_start3A_41 = tpu.memref_slice %arg7[%dma_start3A_39, %dma_start3A_40] : memref<1000x128xf32, #tpu.memory_space<vmem_shared>> -> memref<1000x128xf32, #tpu.memory_space<vmem_shared>>
    tpu.enqueue_indirect_dma source(%dma_start3A_41 : memref<1000x128xf32, #tpu.memory_space<vmem_shared>>) target(%dma_start3A_35 : memref<128x128xf32, #tpu.memory_space<vmem>>) offsets(%dma_start3A_38 : memref<128xi32, #tpu.memory_space<vmem>>) semaphore(%arg10 : memref<!tpu.dma_semaphore, #tpu.memory_space<semaphore_mem>>)
    %dma_wait3A = arith.constant 0 : i32
    %dma_wait3A_42 = arith.constant 0 : i32
    %dma_wait3A_43 = arith.constant 0 : i32
    %dma_wait3A_44 = arith.constant 0 : i32
    %dma_wait3A_45 = tpu.memref_slice %arg6[%dma_wait3A_42, %dma_wait3A_43, %dma_wait3A_44] : memref<5x128x128xf32, #tpu.memory_space<vmem>> -> memref<1x128x128xf32, #tpu.memory_space<vmem>>
    %dma_wait3A_46 = tpu.memref_squeeze %dma_wait3A_45 : memref<1x128x128xf32, #tpu.memory_space<vmem>> -> memref<128x128xf32, #tpu.memory_space<vmem>>
    %dma_wait3A_47 = arith.constant 0 : i32
    %dma_wait3A_48 = tpu.memref_slice %arg5[%dma_wait3A, %dma_wait3A_47] : memref<200x128xi32, #tpu.memory_space<vmem>> -> memref<1x128xi32, #tpu.memory_space<vmem>>
    %dma_wait3A_49 = tpu.memref_squeeze %dma_wait3A_48 : memref<1x128xi32, #tpu.memory_space<vmem>> -> memref<128xi32, #tpu.memory_space<vmem>>
    %dma_wait3A_50 = arith.constant 0 : i32
    %dma_wait3A_51 = arith.constant 0 : i32
    %dma_wait3A_52 = tpu.memref_slice %arg7[%dma_wait3A_50, %dma_wait3A_51] : memref<1000x128xf32, #tpu.memory_space<vmem_shared>> -> memref<1000x128xf32, #tpu.memory_space<vmem_shared>>
    tpu.wait_indirect_dma semaphore(%arg8 : memref<!tpu.dma_semaphore, #tpu.memory_space<semaphore_mem>>) src(%dma_wait3A_52 : memref<1000x128xf32, #tpu.memory_space<vmem_shared>>) dst(%dma_wait3A_46 : memref<128x128xf32, #tpu.memory_space<vmem>>)
    %add3A_53 = arith.constant 0 : i32
    %add3A_54 = arith.addi %mul3A_2, %add3A_53 : i32
    %dma_start3A_55 = arith.constant 0 : i32
    %dma_start3A_56 = arith.constant 0 : i32
    %dma_start3A_57 = arith.constant 0 : i32
    %dma_start3A_58 = tpu.memref_slice %arg6[%dma_start3A_55, %dma_start3A_56, %dma_start3A_57] : memref<5x128x128xf32, #tpu.memory_space<vmem>> -> memref<1x128x128xf32, #tpu.memory_space<vmem>>
    %dma_start3A_59 = tpu.memref_squeeze %dma_start3A_58 : memref<1x128x128xf32, #tpu.memory_space<vmem>> -> memref<128x128xf32, #tpu.memory_space<vmem>>
    %dma_start3A_60 = arith.constant 0 : i32
    %dma_start3A_61 = tpu.memref_slice %arg4[%add3A_54, %dma_start3A_60] : memref<819200x128xf32, #tpu.memory_space<hbm>> -> memref<128x128xf32, #tpu.memory_space<hbm>>
    %dma_start3A_62 = arith.constant 0 : i32
    %dma_start3A_63 = tpu.memref_slice %arg4[%add3A_54, %dma_start3A_62] : memref<819200x128xf32, #tpu.memory_space<hbm>> -> memref<128x128xf32, #tpu.memory_space<hbm>>
    %dma_start3A_64 = arith.constant 0 : i32
    %dma_start3A_65 = arith.constant 0 : i32
    %dma_start3A_66 = tpu.memref_slice %arg6[%dma_start3A_55, %dma_start3A_64, %dma_start3A_65] : memref<5x128x128xf32, #tpu.memory_space<vmem>> -> memref<1x128x128xf32, #tpu.memory_space<vmem>>
    %dma_start3A_67 = tpu.memref_squeeze %dma_start3A_66 : memref<1x128x128xf32, #tpu.memory_space<vmem>> -> memref<128x128xf32, #tpu.memory_space<vmem>>
    tpu.enqueue_dma source(%dma_start3A_67 : memref<128x128xf32, #tpu.memory_space<vmem>>) target(%dma_start3A_63 : memref<128x128xf32, #tpu.memory_space<hbm>>) target_semaphore(%arg13 : memref<!tpu.dma_semaphore, #tpu.memory_space<semaphore_mem>>)
    %dma_start3A_68 = arith.constant 3 : i32
    %dma_start3A_69 = arith.constant 3 : i32
    %dma_start3A_70 = arith.constant 0 : i32
    %dma_start3A_71 = arith.constant 0 : i32
    %dma_start3A_72 = tpu.memref_slice %arg6[%dma_start3A_69, %dma_start3A_70, %dma_start3A_71] : memref<5x128x128xf32, #tpu.memory_space<vmem>> -> memref<1x128x128xf32, #tpu.memory_space<vmem>>
    %dma_start3A_73 = tpu.memref_squeeze %dma_start3A_72 : memref<1x128x128xf32, #tpu.memory_space<vmem>> -> memref<128x128xf32, #tpu.memory_space<vmem>>
    %dma_start3A_74 = arith.constant 0 : i32
    %dma_start3A_75 = tpu.memref_slice %arg5[%dma_start3A_68, %dma_start3A_74] : memref<200x128xi32, #tpu.memory_space<vmem>> -> memref<1x128xi32, #tpu.memory_space<vmem>>
    %dma_start3A_76 = tpu.memref_squeeze %dma_start3A_75 : memref<1x128xi32, #tpu.memory_space<vmem>> -> memref<128xi32, #tpu.memory_space<vmem>>
    %dma_start3A_77 = arith.constant 0 : i32
    %dma_start3A_78 = arith.constant 0 : i32
    %dma_start3A_79 = tpu.memref_slice %arg7[%dma_start3A_77, %dma_start3A_78] : memref<1000x128xf32, #tpu.memory_space<vmem_shared>> -> memref<1000x128xf32, #tpu.memory_space<vmem_shared>>
    tpu.enqueue_indirect_dma source(%dma_start3A_79 : memref<1000x128xf32, #tpu.memory_space<vmem_shared>>) target(%dma_start3A_73 : memref<128x128xf32, #tpu.memory_space<vmem>>) offsets(%dma_start3A_76 : memref<128xi32, #tpu.memory_space<vmem>>) semaphore(%arg11 : memref<!tpu.dma_semaphore, #tpu.memory_space<semaphore_mem>>)
    %dma_wait3A_80 = arith.constant 1 : i32
    %dma_wait3A_81 = arith.constant 1 : i32
    %dma_wait3A_82 = arith.constant 0 : i32
    %dma_wait3A_83 = arith.constant 0 : i32
    %dma_wait3A_84 = tpu.memref_slice %arg6[%dma_wait3A_81, %dma_wait3A_82, %dma_wait3A_83] : memref<5x128x128xf32, #tpu.memory_space<vmem>> -> memref<1x128x128xf32, #tpu.memory_space<vmem>>
    %dma_wait3A_85 = tpu.memref_squeeze %dma_wait3A_84 : memref<1x128x128xf32, #tpu.memory_space<vmem>> -> memref<128x128xf32, #tpu.memory_space<vmem>>
    %dma_wait3A_86 = arith.constant 0 : i32
    %dma_wait3A_87 = tpu.memref_slice %arg5[%dma_wait3A_80, %dma_wait3A_86] : memref<200x128xi32, #tpu.memory_space<vmem>> -> memref<1x128xi32, #tpu.memory_space<vmem>>
    %dma_wait3A_88 = tpu.memref_squeeze %dma_wait3A_87 : memref<1x128xi32, #tpu.memory_space<vmem>> -> memref<128xi32, #tpu.memory_space<vmem>>
    %dma_wait3A_89 = arith.constant 0 : i32
    %dma_wait3A_90 = arith.constant 0 : i32
    %dma_wait3A_91 = tpu.memref_slice %arg7[%dma_wait3A_89, %dma_wait3A_90] : memref<1000x128xf32, #tpu.memory_space<vmem_shared>> -> memref<1000x128xf32, #tpu.memory_space<vmem_shared>>
    tpu.wait_indirect_dma semaphore(%arg9 : memref<!tpu.dma_semaphore, #tpu.memory_space<semaphore_mem>>) src(%dma_wait3A_91 : memref<1000x128xf32, #tpu.memory_space<vmem_shared>>) dst(%dma_wait3A_85 : memref<128x128xf32, #tpu.memory_space<vmem>>)
    %add3A_92 = arith.constant 128 : i32
    %add3A_93 = arith.addi %mul3A_2, %add3A_92 : i32
    %dma_start3A_94 = arith.constant 1 : i32
    %dma_start3A_95 = arith.constant 0 : i32
    %dma_start3A_96 = arith.constant 0 : i32
    %dma_start3A_97 = tpu.memref_slice %arg6[%dma_start3A_94, %dma_start3A_95, %dma_start3A_96] : memref<5x128x128xf32, #tpu.memory_space<vmem>> -> memref<1x128x128xf32, #tpu.memory_space<vmem>>
    %dma_start3A_98 = tpu.memref_squeeze %dma_start3A_97 : memref<1x128x128xf32, #tpu.memory_space<vmem>> -> memref<128x128xf32, #tpu.memory_space<vmem>>
    %dma_start3A_99 = arith.constant 0 : i32
    %dma_start3A_100 = tpu.memref_slice %arg4[%add3A_93, %dma_start3A_99] : memref<819200x128xf32, #tpu.memory_space<hbm>> -> memref<128x128xf32, #tpu.memory_space<hbm>>
    %dma_start3A_101 = arith.constant 0 : i32
    %dma_start3A_102 = tpu.memref_slice %arg4[%add3A_93, %dma_start3A_101] : memref<819200x128xf32, #tpu.memory_space<hbm>> -> memref<128x128xf32, #tpu.memory_space<hbm>>
    %dma_start3A_103 = arith.constant 0 : i32
    %dma_start3A_104 = arith.constant 0 : i32
    %dma_start3A_105 = tpu.memref_slice %arg6[%dma_start3A_94, %dma_start3A_103, %dma_start3A_104] : memref<5x128x128xf32, #tpu.memory_space<vmem>> -> memref<1x128x128xf32, #tpu.memory_space<vmem>>
    %dma_start3A_106 = tpu.memref_squeeze %dma_start3A_105 : memref<1x128x128xf32, #tpu.memory_space<vmem>> -> memref<128x128xf32, #tpu.memory_space<vmem>>
    tpu.enqueue_dma source(%dma_start3A_106 : memref<128x128xf32, #tpu.memory_space<vmem>>) target(%dma_start3A_102 : memref<128x128xf32, #tpu.memory_space<hbm>>) target_semaphore(%arg14 : memref<!tpu.dma_semaphore, #tpu.memory_space<semaphore_mem>>)
    %dma_start3A_107 = arith.constant 4 : i32
    %dma_start3A_108 = arith.constant 4 : i32
    %dma_start3A_109 = arith.constant 0 : i32
    %dma_start3A_110 = arith.constant 0 : i32
    %dma_start3A_111 = tpu.memref_slice %arg6[%dma_start3A_108, %dma_start3A_109, %dma_start3A_110] : memref<5x128x128xf32, #tpu.memory_space<vmem>> -> memref<1x128x128xf32, #tpu.memory_space<vmem>>
    %dma_start3A_112 = tpu.memref_squeeze %dma_start3A_111 : memref<1x128x128xf32, #tpu.memory_space<vmem>> -> memref<128x128xf32, #tpu.memory_space<vmem>>
    %dma_start3A_113 = arith.constant 0 : i32
    %dma_start3A_114 = tpu.memref_slice %arg5[%dma_start3A_107, %dma_start3A_113] : memref<200x128xi32, #tpu.memory_space<vmem>> -> memref<1x128xi32, #tpu.memory_space<vmem>>
    %dma_start3A_115 = tpu.memref_squeeze %dma_start3A_114 : memref<1x128xi32, #tpu.memory_space<vmem>> -> memref<128xi32, #tpu.memory_space<vmem>>
    %dma_start3A_116 = arith.constant 0 : i32
    %dma_start3A_117 = arith.constant 0 : i32
    %dma_start3A_118 = tpu.memref_slice %arg7[%dma_start3A_116, %dma_start3A_117] : memref<1000x128xf32, #tpu.memory_space<vmem_shared>> -> memref<1000x128xf32, #tpu.memory_space<vmem_shared>>
    tpu.enqueue_indirect_dma source(%dma_start3A_118 : memref<1000x128xf32, #tpu.memory_space<vmem_shared>>) target(%dma_start3A_112 : memref<128x128xf32, #tpu.memory_space<vmem>>) offsets(%dma_start3A_115 : memref<128xi32, #tpu.memory_space<vmem>>) semaphore(%arg12 : memref<!tpu.dma_semaphore, #tpu.memory_space<semaphore_mem>>)
    %dma_wait3A_119 = arith.constant 2 : i32
    %dma_wait3A_120 = arith.constant 2 : i32
    %dma_wait3A_121 = arith.constant 0 : i32
    %dma_wait3A_122 = arith.constant 0 : i32
    %dma_wait3A_123 = tpu.memref_slice %arg6[%dma_wait3A_120, %dma_wait3A_121, %dma_wait3A_122] : memref<5x128x128xf32, #tpu.memory_space<vmem>> -> memref<1x128x128xf32, #tpu.memory_space<vmem>>
    %dma_wait3A_124 = tpu.memref_squeeze %dma_wait3A_123 : memref<1x128x128xf32, #tpu.memory_space<vmem>> -> memref<128x128xf32, #tpu.memory_space<vmem>>
    %dma_wait3A_125 = arith.constant 0 : i32
    %dma_wait3A_126 = tpu.memref_slice %arg5[%dma_wait3A_119, %dma_wait3A_125] : memref<200x128xi32, #tpu.memory_space<vmem>> -> memref<1x128xi32, #tpu.memory_space<vmem>>
    %dma_wait3A_127 = tpu.memref_squeeze %dma_wait3A_126 : memref<1x128xi32, #tpu.memory_space<vmem>> -> memref<128xi32, #tpu.memory_space<vmem>>
    %dma_wait3A_128 = arith.constant 0 : i32
    %dma_wait3A_129 = arith.constant 0 : i32
    %dma_wait3A_130 = tpu.memref_slice %arg7[%dma_wait3A_128, %dma_wait3A_129] : memref<1000x128xf32, #tpu.memory_space<vmem_shared>> -> memref<1000x128xf32, #tpu.memory_space<vmem_shared>>
    tpu.wait_indirect_dma semaphore(%arg10 : memref<!tpu.dma_semaphore, #tpu.memory_space<semaphore_mem>>) src(%dma_wait3A_130 : memref<1000x128xf32, #tpu.memory_space<vmem_shared>>) dst(%dma_wait3A_124 : memref<128x128xf32, #tpu.memory_space<vmem>>)
    %add3A_131 = arith.constant 256 : i32
    %add3A_132 = arith.addi %mul3A_2, %add3A_131 : i32
    %dma_start3A_133 = arith.constant 2 : i32
    %dma_start3A_134 = arith.constant 0 : i32
    %dma_start3A_135 = arith.constant 0 : i32
    %dma_start3A_136 = tpu.memref_slice %arg6[%dma_start3A_133, %dma_start3A_134, %dma_start3A_135] : memref<5x128x128xf32, #tpu.memory_space<vmem>> -> memref<1x128x128xf32, #tpu.memory_space<vmem>>
    %dma_start3A_137 = tpu.memref_squeeze %dma_start3A_136 : memref<1x128x128xf32, #tpu.memory_space<vmem>> -> memref<128x128xf32, #tpu.memory_space<vmem>>
    %dma_start3A_138 = arith.constant 0 : i32
    %dma_start3A_139 = tpu.memref_slice %arg4[%add3A_132, %dma_start3A_138] : memref<819200x128xf32, #tpu.memory_space<hbm>> -> memref<128x128xf32, #tpu.memory_space<hbm>>
    %dma_start3A_140 = arith.constant 0 : i32
    %dma_start3A_141 = tpu.memref_slice %arg4[%add3A_132, %dma_start3A_140] : memref<819200x128xf32, #tpu.memory_space<hbm>> -> memref<128x128xf32, #tpu.memory_space<hbm>>
    %dma_start3A_142 = arith.constant 0 : i32
    %dma_start3A_143 = arith.constant 0 : i32
    %dma_start3A_144 = tpu.memref_slice %arg6[%dma_start3A_133, %dma_start3A_142, %dma_start3A_143] : memref<5x128x128xf32, #tpu.memory_space<vmem>> -> memref<1x128x128xf32, #tpu.memory_space<vmem>>
    %dma_start3A_145 = tpu.memref_squeeze %dma_start3A_144 : memref<1x128x128xf32, #tpu.memory_space<vmem>> -> memref<128x128xf32, #tpu.memory_space<vmem>>
    tpu.enqueue_dma source(%dma_start3A_145 : memref<128x128xf32, #tpu.memory_space<vmem>>) target(%dma_start3A_141 : memref<128x128xf32, #tpu.memory_space<hbm>>) target_semaphore(%arg15 : memref<!tpu.dma_semaphore, #tpu.memory_space<semaphore_mem>>)
    %add3A_146 = arith.constant 0 : i32
    %add3A_147 = arith.addi %mul3A_2, %add3A_146 : i32
    %dma_wait3A_148 = arith.constant 0 : i32
    %dma_wait3A_149 = arith.constant 0 : i32
    %dma_wait3A_150 = arith.constant 0 : i32
    %dma_wait3A_151 = tpu.memref_slice %arg6[%dma_wait3A_148, %dma_wait3A_149, %dma_wait3A_150] : memref<5x128x128xf32, #tpu.memory_space<vmem>> -> memref<1x128x128xf32, #tpu.memory_space<vmem>>
    %dma_wait3A_152 = tpu.memref_squeeze %dma_wait3A_151 : memref<1x128x128xf32, #tpu.memory_space<vmem>> -> memref<128x128xf32, #tpu.memory_space<vmem>>
    %dma_wait3A_153 = arith.constant 0 : i32
    %dma_wait3A_154 = tpu.memref_slice %arg4[%add3A_147, %dma_wait3A_153] : memref<819200x128xf32, #tpu.memory_space<hbm>> -> memref<128x128xf32, #tpu.memory_space<hbm>>
    %dma_wait3A_155 = arith.constant 0 : i32
    %dma_wait3A_156 = tpu.memref_slice %arg4[%add3A_147, %dma_wait3A_155] : memref<819200x128xf32, #tpu.memory_space<hbm>> -> memref<128x128xf32, #tpu.memory_space<hbm>>
    %dma_wait3A_157 = arith.constant 0 : i32
    %dma_wait3A_158 = arith.constant 0 : i32
    %dma_wait3A_159 = tpu.memref_slice %arg6[%dma_wait3A_148, %dma_wait3A_157, %dma_wait3A_158] : memref<5x128x128xf32, #tpu.memory_space<vmem>> -> memref<1x128x128xf32, #tpu.memory_space<vmem>>
    %dma_wait3A_160 = tpu.memref_squeeze %dma_wait3A_159 : memref<1x128x128xf32, #tpu.memory_space<vmem>> -> memref<128x128xf32, #tpu.memory_space<vmem>>
    tpu.wait_dma2 semaphore(%arg13 : memref<!tpu.dma_semaphore, #tpu.memory_space<semaphore_mem>>) src(%dma_wait3A_160 : memref<128x128xf32, #tpu.memory_space<vmem>>) dst(%dma_wait3A_156 : memref<128x128xf32, #tpu.memory_space<hbm>>)
    %dma_start3A_161 = arith.constant 5 : i32
    %dma_start3A_162 = arith.constant 0 : i32
    %dma_start3A_163 = arith.constant 0 : i32
    %dma_start3A_164 = arith.constant 0 : i32
    %dma_start3A_165 = tpu.memref_slice %arg6[%dma_start3A_162, %dma_start3A_163, %dma_start3A_164] : memref<5x128x128xf32, #tpu.memory_space<vmem>> -> memref<1x128x128xf32, #tpu.memory_space<vmem>>
    %dma_start3A_166 = tpu.memref_squeeze %dma_start3A_165 : memref<1x128x128xf32, #tpu.memory_space<vmem>> -> memref<128x128xf32, #tpu.memory_space<vmem>>
    %dma_start3A_167 = arith.constant 0 : i32
    %dma_start3A_168 = tpu.memref_slice %arg5[%dma_start3A_161, %dma_start3A_167] : memref<200x128xi32, #tpu.memory_space<vmem>> -> memref<1x128xi32, #tpu.memory_space<vmem>>
    %dma_start3A_169 = tpu.memref_squeeze %dma_start3A_168 : memref<1x128xi32, #tpu.memory_space<vmem>> -> memref<128xi32, #tpu.memory_space<vmem>>
    %dma_start3A_170 = arith.constant 0 : i32
    %dma_start3A_171 = arith.constant 0 : i32
    %dma_start3A_172 = tpu.memref_slice %arg7[%dma_start3A_170, %dma_start3A_171] : memref<1000x128xf32, #tpu.memory_space<vmem_shared>> -> memref<1000x128xf32, #tpu.memory_space<vmem_shared>>
    tpu.enqueue_indirect_dma source(%dma_start3A_172 : memref<1000x128xf32, #tpu.memory_space<vmem_shared>>) target(%dma_start3A_166 : memref<128x128xf32, #tpu.memory_space<vmem>>) offsets(%dma_start3A_169 : memref<128xi32, #tpu.memory_space<vmem>>) semaphore(%arg8 : memref<!tpu.dma_semaphore, #tpu.memory_space<semaphore_mem>>)
    %dma_wait3A_173 = arith.constant 3 : i32
    %dma_wait3A_174 = arith.constant 3 : i32
    %dma_wait3A_175 = arith.constant 0 : i32
    %dma_wait3A_176 = arith.constant 0 : i32
    %dma_wait3A_177 = tpu.memref_slice %arg6[%dma_wait3A_174, %dma_wait3A_175, %dma_wait3A_176] : memref<5x128x128xf32, #tpu.memory_space<vmem>> -> memref<1x128x128xf32, #tpu.memory_space<vmem>>
    %dma_wait3A_178 = tpu.memref_squeeze %dma_wait3A_177 : memref<1x128x128xf32, #tpu.memory_space<vmem>> -> memref<128x128xf32, #tpu.memory_space<vmem>>
    %dma_wait3A_179 = arith.constant 0 : i32
    %dma_wait3A_180 = tpu.memref_slice %arg5[%dma_wait3A_173, %dma_wait3A_179] : memref<200x128xi32, #tpu.memory_space<vmem>> -> memref<1x128xi32, #tpu.memory_space<vmem>>
    %dma_wait3A_181 = tpu.memref_squeeze %dma_wait3A_180 : memref<1x128xi32, #tpu.memory_space<vmem>> -> memref<128xi32, #tpu.memory_space<vmem>>
    %dma_wait3A_182 = arith.constant 0 : i32
    %dma_wait3A_183 = arith.constant 0 : i32
    %dma_wait3A_184 = tpu.memref_slice %arg7[%dma_wait3A_182, %dma_wait3A_183] : memref<1000x128xf32, #tpu.memory_space<vmem_shared>> -> memref<1000x128xf32, #tpu.memory_space<vmem_shared>>
    tpu.wait_indirect_dma semaphore(%arg11 : memref<!tpu.dma_semaphore, #tpu.memory_space<semaphore_mem>>) src(%dma_wait3A_184 : memref<1000x128xf32, #tpu.memory_space<vmem_shared>>) dst(%dma_wait3A_178 : memref<128x128xf32, #tpu.memory_space<vmem>>)
    %add3A_185 = arith.constant 384 : i32
    %add3A_186 = arith.addi %mul3A_2, %add3A_185 : i32
    %dma_start3A_187 = arith.constant 3 : i32
    %dma_start3A_188 = arith.constant 0 : i32
    %dma_start3A_189 = arith.constant 0 : i32
    %dma_start3A_190 = tpu.memref_slice %arg6[%dma_start3A_187, %dma_start3A_188, %dma_start3A_189] : memref<5x128x128xf32, #tpu.memory_space<vmem>> -> memref<1x128x128xf32, #tpu.memory_space<vmem>>
    %dma_start3A_191 = tpu.memref_squeeze %dma_start3A_190 : memref<1x128x128xf32, #tpu.memory_space<vmem>> -> memref<128x128xf32, #tpu.memory_space<vmem>>
    %dma_start3A_192 = arith.constant 0 : i32
    %dma_start3A_193 = tpu.memref_slice %arg4[%add3A_186, %dma_start3A_192] : memref<819200x128xf32, #tpu.memory_space<hbm>> -> memref<128x128xf32, #tpu.memory_space<hbm>>
    %dma_start3A_194 = arith.constant 0 : i32
    %dma_start3A_195 = tpu.memref_slice %arg4[%add3A_186, %dma_start3A_194] : memref<819200x128xf32, #tpu.memory_space<hbm>> -> memref<128x128xf32, #tpu.memory_space<hbm>>
    %dma_start3A_196 = arith.constant 0 : i32
    %dma_start3A_197 = arith.constant 0 : i32
    %dma_start3A_198 = tpu.memref_slice %arg6[%dma_start3A_187, %dma_start3A_196, %dma_start3A_197] : memref<5x128x128xf32, #tpu.memory_space<vmem>> -> memref<1x128x128xf32, #tpu.memory_space<vmem>>
    %dma_start3A_199 = tpu.memref_squeeze %dma_start3A_198 : memref<1x128x128xf32, #tpu.memory_space<vmem>> -> memref<128x128xf32, #tpu.memory_space<vmem>>
    tpu.enqueue_dma source(%dma_start3A_199 : memref<128x128xf32, #tpu.memory_space<vmem>>) target(%dma_start3A_195 : memref<128x128xf32, #tpu.memory_space<hbm>>) target_semaphore(%arg16 : memref<!tpu.dma_semaphore, #tpu.memory_space<semaphore_mem>>)
    %add3A_200 = arith.constant 128 : i32
    %add3A_201 = arith.addi %mul3A_2, %add3A_200 : i32
    %dma_wait3A_202 = arith.constant 1 : i32
    %dma_wait3A_203 = arith.constant 0 : i32
    %dma_wait3A_204 = arith.constant 0 : i32
    %dma_wait3A_205 = tpu.memref_slice %arg6[%dma_wait3A_202, %dma_wait3A_203, %dma_wait3A_204] : memref<5x128x128xf32, #tpu.memory_space<vmem>> -> memref<1x128x128xf32, #tpu.memory_space<vmem>>
    %dma_wait3A_206 = tpu.memref_squeeze %dma_wait3A_205 : memref<1x128x128xf32, #tpu.memory_space<vmem>> -> memref<128x128xf32, #tpu.memory_space<vmem>>
    %dma_wait3A_207 = arith.constant 0 : i32
    %dma_wait3A_208 = tpu.memref_slice %arg4[%add3A_201, %dma_wait3A_207] : memref<819200x128xf32, #tpu.memory_space<hbm>> -> memref<128x128xf32, #tpu.memory_space<hbm>>
    %dma_wait3A_209 = arith.constant 0 : i32
    %dma_wait3A_210 = tpu.memref_slice %arg4[%add3A_201, %dma_wait3A_209] : memref<819200x128xf32, #tpu.memory_space<hbm>> -> memref<128x128xf32, #tpu.memory_space<hbm>>
    %dma_wait3A_211 = arith.constant 0 : i32
    %dma_wait3A_212 = arith.constant 0 : i32
    %dma_wait3A_213 = tpu.memref_slice %arg6[%dma_wait3A_202, %dma_wait3A_211, %dma_wait3A_212] : memref<5x128x128xf32, #tpu.memory_space<vmem>> -> memref<1x128x128xf32, #tpu.memory_space<vmem>>
    %dma_wait3A_214 = tpu.memref_squeeze %dma_wait3A_213 : memref<1x128x128xf32, #tpu.memory_space<vmem>> -> memref<128x128xf32, #tpu.memory_space<vmem>>
    tpu.wait_dma2 semaphore(%arg14 : memref<!tpu.dma_semaphore, #tpu.memory_space<semaphore_mem>>) src(%dma_wait3A_214 : memref<128x128xf32, #tpu.memory_space<vmem>>) dst(%dma_wait3A_210 : memref<128x128xf32, #tpu.memory_space<hbm>>)
    %dma_start3A_215 = arith.constant 6 : i32
    %dma_start3A_216 = arith.constant 1 : i32
    %dma_start3A_217 = arith.constant 0 : i32
    %dma_start3A_218 = arith.constant 0 : i32
    %dma_start3A_219 = tpu.memref_slice %arg6[%dma_start3A_216, %dma_start3A_217, %dma_start3A_218] : memref<5x128x128xf32, #tpu.memory_space<vmem>> -> memref<1x128x128xf32, #tpu.memory_space<vmem>>
    %dma_start3A_220 = tpu.memref_squeeze %dma_start3A_219 : memref<1x128x128xf32, #tpu.memory_space<vmem>> -> memref<128x128xf32, #tpu.memory_space<vmem>>
    %dma_start3A_221 = arith.constant 0 : i32
    %dma_start3A_222 = tpu.memref_slice %arg5[%dma_start3A_215, %dma_start3A_221] : memref<200x128xi32, #tpu.memory_space<vmem>> -> memref<1x128xi32, #tpu.memory_space<vmem>>
    %dma_start3A_223 = tpu.memref_squeeze %dma_start3A_222 : memref<1x128xi32, #tpu.memory_space<vmem>> -> memref<128xi32, #tpu.memory_space<vmem>>
    %dma_start3A_224 = arith.constant 0 : i32
    %dma_start3A_225 = arith.constant 0 : i32
    %dma_start3A_226 = tpu.memref_slice %arg7[%dma_start3A_224, %dma_start3A_225] : memref<1000x128xf32, #tpu.memory_space<vmem_shared>> -> memref<1000x128xf32, #tpu.memory_space<vmem_shared>>
    tpu.enqueue_indirect_dma source(%dma_start3A_226 : memref<1000x128xf32, #tpu.memory_space<vmem_shared>>) target(%dma_start3A_220 : memref<128x128xf32, #tpu.memory_space<vmem>>) offsets(%dma_start3A_223 : memref<128xi32, #tpu.memory_space<vmem>>) semaphore(%arg9 : memref<!tpu.dma_semaphore, #tpu.memory_space<semaphore_mem>>)
    %dma_wait3A_227 = arith.constant 4 : i32
    %dma_wait3A_228 = arith.constant 4 : i32
    %dma_wait3A_229 = arith.constant 0 : i32
    %dma_wait3A_230 = arith.constant 0 : i32
    %dma_wait3A_231 = tpu.memref_slice %arg6[%dma_wait3A_228, %dma_wait3A_229, %dma_wait3A_230] : memref<5x128x128xf32, #tpu.memory_space<vmem>> -> memref<1x128x128xf32, #tpu.memory_space<vmem>>
    %dma_wait3A_232 = tpu.memref_squeeze %dma_wait3A_231 : memref<1x128x128xf32, #tpu.memory_space<vmem>> -> memref<128x128xf32, #tpu.memory_space<vmem>>
    %dma_wait3A_233 = arith.constant 0 : i32
    %dma_wait3A_234 = tpu.memref_slice %arg5[%dma_wait3A_227, %dma_wait3A_233] : memref<200x128xi32, #tpu.memory_space<vmem>> -> memref<1x128xi32, #tpu.memory_space<vmem>>
    %dma_wait3A_235 = tpu.memref_squeeze %dma_wait3A_234 : memref<1x128xi32, #tpu.memory_space<vmem>> -> memref<128xi32, #tpu.memory_space<vmem>>
    %dma_wait3A_236 = arith.constant 0 : i32
    %dma_wait3A_237 = arith.constant 0 : i32
    %dma_wait3A_238 = tpu.memref_slice %arg7[%dma_wait3A_236, %dma_wait3A_237] : memref<1000x128xf32, #tpu.memory_space<vmem_shared>> -> memref<1000x128xf32, #tpu.memory_space<vmem_shared>>
    tpu.wait_indirect_dma semaphore(%arg12 : memref<!tpu.dma_semaphore, #tpu.memory_space<semaphore_mem>>) src(%dma_wait3A_238 : memref<1000x128xf32, #tpu.memory_space<vmem_shared>>) dst(%dma_wait3A_232 : memref<128x128xf32, #tpu.memory_space<vmem>>)
    %add3A_239 = arith.constant 512 : i32
    %add3A_240 = arith.addi %mul3A_2, %add3A_239 : i32
    %dma_start3A_241 = arith.constant 4 : i32
    %dma_start3A_242 = arith.constant 0 : i32
    %dma_start3A_243 = arith.constant 0 : i32
    %dma_start3A_244 = tpu.memref_slice %arg6[%dma_start3A_241, %dma_start3A_242, %dma_start3A_243] : memref<5x128x128xf32, #tpu.memory_space<vmem>> -> memref<1x128x128xf32, #tpu.memory_space<vmem>>
    %dma_start3A_245 = tpu.memref_squeeze %dma_start3A_244 : memref<1x128x128xf32, #tpu.memory_space<vmem>> -> memref<128x128xf32, #tpu.memory_space<vmem>>
    %dma_start3A_246 = arith.constant 0 : i32
    %dma_start3A_247 = tpu.memref_slice %arg4[%add3A_240, %dma_start3A_246] : memref<819200x128xf32, #tpu.memory_space<hbm>> -> memref<128x128xf32, #tpu.memory_space<hbm>>
    %dma_start3A_248 = arith.constant 0 : i32
    %dma_start3A_249 = tpu.memref_slice %arg4[%add3A_240, %dma_start3A_248] : memref<819200x128xf32, #tpu.memory_space<hbm>> -> memref<128x128xf32, #tpu.memory_space<hbm>>
    %dma_start3A_250 = arith.constant 0 : i32
    %dma_start3A_251 = arith.constant 0 : i32
    %dma_start3A_252 = tpu.memref_slice %arg6[%dma_start3A_241, %dma_start3A_250, %dma_start3A_251] : memref<5x128x128xf32, #tpu.memory_space<vmem>> -> memref<1x128x128xf32, #tpu.memory_space<vmem>>
    %dma_start3A_253 = tpu.memref_squeeze %dma_start3A_252 : memref<1x128x128xf32, #tpu.memory_space<vmem>> -> memref<128x128xf32, #tpu.memory_space<vmem>>
    tpu.enqueue_dma source(%dma_start3A_253 : memref<128x128xf32, #tpu.memory_space<vmem>>) target(%dma_start3A_249 : memref<128x128xf32, #tpu.memory_space<hbm>>) target_semaphore(%arg17 : memref<!tpu.dma_semaphore, #tpu.memory_space<semaphore_mem>>)
    %add3A_254 = arith.constant 256 : i32
    %add3A_255 = arith.addi %mul3A_2, %add3A_254 : i32
    %dma_wait3A_256 = arith.constant 2 : i32
    %dma_wait3A_257 = arith.constant 0 : i32
    %dma_wait3A_258 = arith.constant 0 : i32
    %dma_wait3A_259 = tpu.memref_slice %arg6[%dma_wait3A_256, %dma_wait3A_257, %dma_wait3A_258] : memref<5x128x128xf32, #tpu.memory_space<vmem>> -> memref<1x128x128xf32, #tpu.memory_space<vmem>>
    %dma_wait3A_260 = tpu.memref_squeeze %dma_wait3A_259 : memref<1x128x128xf32, #tpu.memory_space<vmem>> -> memref<128x128xf32, #tpu.memory_space<vmem>>
    %dma_wait3A_261 = arith.constant 0 : i32
    %dma_wait3A_262 = tpu.memref_slice %arg4[%add3A_255, %dma_wait3A_261] : memref<819200x128xf32, #tpu.memory_space<hbm>> -> memref<128x128xf32, #tpu.memory_space<hbm>>
    %dma_wait3A_263 = arith.constant 0 : i32
    %dma_wait3A_264 = tpu.memref_slice %arg4[%add3A_255, %dma_wait3A_263] : memref<819200x128xf32, #tpu.memory_space<hbm>> -> memref<128x128xf32, #tpu.memory_space<hbm>>
    %dma_wait3A_265 = arith.constant 0 : i32
    %dma_wait3A_266 = arith.constant 0 : i32
    %dma_wait3A_267 = tpu.memref_slice %arg6[%dma_wait3A_256, %dma_wait3A_265, %dma_wait3A_266] : memref<5x128x128xf32, #tpu.memory_space<vmem>> -> memref<1x128x128xf32, #tpu.memory_space<vmem>>
    %dma_wait3A_268 = tpu.memref_squeeze %dma_wait3A_267 : memref<1x128x128xf32, #tpu.memory_space<vmem>> -> memref<128x128xf32, #tpu.memory_space<vmem>>
    tpu.wait_dma2 semaphore(%arg15 : memref<!tpu.dma_semaphore, #tpu.memory_space<semaphore_mem>>) src(%dma_wait3A_268 : memref<128x128xf32, #tpu.memory_space<vmem>>) dst(%dma_wait3A_264 : memref<128x128xf32, #tpu.memory_space<hbm>>)
    %dma_start3A_269 = arith.constant 7 : i32
    %dma_start3A_270 = arith.constant 2 : i32
    %dma_start3A_271 = arith.constant 0 : i32
    %dma_start3A_272 = arith.constant 0 : i32
    %dma_start3A_273 = tpu.memref_slice %arg6[%dma_start3A_270, %dma_start3A_271, %dma_start3A_272] : memref<5x128x128xf32, #tpu.memory_space<vmem>> -> memref<1x128x128xf32, #tpu.memory_space<vmem>>
    %dma_start3A_274 = tpu.memref_squeeze %dma_start3A_273 : memref<1x128x128xf32, #tpu.memory_space<vmem>> -> memref<128x128xf32, #tpu.memory_space<vmem>>
    %dma_start3A_275 = arith.constant 0 : i32
    %dma_start3A_276 = tpu.memref_slice %arg5[%dma_start3A_269, %dma_start3A_275] : memref<200x128xi32, #tpu.memory_space<vmem>> -> memref<1x128xi32, #tpu.memory_space<vmem>>
    %dma_start3A_277 = tpu.memref_squeeze %dma_start3A_276 : memref<1x128xi32, #tpu.memory_space<vmem>> -> memref<128xi32, #tpu.memory_space<vmem>>
    %dma_start3A_278 = arith.constant 0 : i32
    %dma_start3A_279 = arith.constant 0 : i32
    %dma_start3A_280 = tpu.memref_slice %arg7[%dma_start3A_278, %dma_start3A_279] : memref<1000x128xf32, #tpu.memory_space<vmem_shared>> -> memref<1000x128xf32, #tpu.memory_space<vmem_shared>>
    tpu.enqueue_indirect_dma source(%dma_start3A_280 : memref<1000x128xf32, #tpu.memory_space<vmem_shared>>) target(%dma_start3A_274 : memref<128x128xf32, #tpu.memory_space<vmem>>) offsets(%dma_start3A_277 : memref<128xi32, #tpu.memory_space<vmem>>) semaphore(%arg10 : memref<!tpu.dma_semaphore, #tpu.memory_space<semaphore_mem>>)
    %scan3A = arith.constant 0 : i32
    %scan3A_281 = arith.constant 1 : i32
    %scan3A_282 = arith.constant 38 : i32
    %scan3A_283 = arith.addi %scan3A_281, %scan3A_282 : i32
    %scan3A_284 = arith.constant 1 : i32
    scf.for %scan3A_550 = %scan3A_281 to %scan3A_283 step %scan3A_284  : i32 {
      %mul3A_551 = arith.constant 5 : i32
      %mul3A_552 = arith.muli %scan3A_550, %mul3A_551 : i32
      %add3A_553 = arith.constant 0 : i32
      %add3A_554 = arith.addi %mul3A_552, %add3A_553 : i32
      %dma_wait3A_555 = arith.constant 0 : i32
      %dma_wait3A_556 = arith.constant 0 : i32
      %dma_wait3A_557 = arith.constant 0 : i32
      %dma_wait3A_558 = tpu.memref_slice %arg6[%dma_wait3A_555, %dma_wait3A_556, %dma_wait3A_557] : memref<5x128x128xf32, #tpu.memory_space<vmem>> -> memref<1x128x128xf32, #tpu.memory_space<vmem>>
      %dma_wait3A_559 = tpu.memref_squeeze %dma_wait3A_558 : memref<1x128x128xf32, #tpu.memory_space<vmem>> -> memref<128x128xf32, #tpu.memory_space<vmem>>
      %dma_wait3A_560 = arith.constant 0 : i32
      %dma_wait3A_561 = tpu.memref_slice %arg5[%add3A_554, %dma_wait3A_560] : memref<200x128xi32, #tpu.memory_space<vmem>> -> memref<1x128xi32, #tpu.memory_space<vmem>>
      %dma_wait3A_562 = tpu.memref_squeeze %dma_wait3A_561 : memref<1x128xi32, #tpu.memory_space<vmem>> -> memref<128xi32, #tpu.memory_space<vmem>>
      %dma_wait3A_563 = arith.constant 0 : i32
      %dma_wait3A_564 = arith.constant 0 : i32
      %dma_wait3A_565 = tpu.memref_slice %arg7[%dma_wait3A_563, %dma_wait3A_564] : memref<1000x128xf32, #tpu.memory_space<vmem_shared>> -> memref<1000x128xf32, #tpu.memory_space<vmem_shared>>
      tpu.wait_indirect_dma semaphore(%arg8 : memref<!tpu.dma_semaphore, #tpu.memory_space<semaphore_mem>>) src(%dma_wait3A_565 : memref<1000x128xf32, #tpu.memory_space<vmem_shared>>) dst(%dma_wait3A_559 : memref<128x128xf32, #tpu.memory_space<vmem>>)
      %mul3A_566 = arith.constant 128 : i32
      %mul3A_567 = arith.muli %add3A_554, %mul3A_566 : i32
      %add3A_568 = arith.addi %mul3A_2, %mul3A_567 : i32
      %dma_start3A_569 = arith.constant 0 : i32
      %dma_start3A_570 = arith.constant 0 : i32
      %dma_start3A_571 = arith.constant 0 : i32
      %dma_start3A_572 = tpu.memref_slice %arg6[%dma_start3A_569, %dma_start3A_570, %dma_start3A_571] : memref<5x128x128xf32, #tpu.memory_space<vmem>> -> memref<1x128x128xf32, #tpu.memory_space<vmem>>
      %dma_start3A_573 = tpu.memref_squeeze %dma_start3A_572 : memref<1x128x128xf32, #tpu.memory_space<vmem>> -> memref<128x128xf32, #tpu.memory_space<vmem>>
      %dma_start3A_574 = arith.constant 0 : i32
      %dma_start3A_575 = tpu.memref_slice %arg4[%add3A_568, %dma_start3A_574] : memref<819200x128xf32, #tpu.memory_space<hbm>> -> memref<128x128xf32, #tpu.memory_space<hbm>>
      %dma_start3A_576 = arith.constant 0 : i32
      %dma_start3A_577 = tpu.memref_slice %arg4[%add3A_568, %dma_start3A_576] : memref<819200x128xf32, #tpu.memory_space<hbm>> -> memref<128x128xf32, #tpu.memory_space<hbm>>
      %dma_start3A_578 = arith.constant 0 : i32
      %dma_start3A_579 = arith.constant 0 : i32
      %dma_start3A_580 = tpu.memref_slice %arg6[%dma_start3A_569, %dma_start3A_578, %dma_start3A_579] : memref<5x128x128xf32, #tpu.memory_space<vmem>> -> memref<1x128x128xf32, #tpu.memory_space<vmem>>
      %dma_start3A_581 = tpu.memref_squeeze %dma_start3A_580 : memref<1x128x128xf32, #tpu.memory_space<vmem>> -> memref<128x128xf32, #tpu.memory_space<vmem>>
      tpu.enqueue_dma source(%dma_start3A_581 : memref<128x128xf32, #tpu.memory_space<vmem>>) target(%dma_start3A_577 : memref<128x128xf32, #tpu.memory_space<hbm>>) target_semaphore(%arg13 : memref<!tpu.dma_semaphore, #tpu.memory_space<semaphore_mem>>)
      %sub3A = arith.constant 2 : i32
      %sub3A_582 = arith.subi %add3A_554, %sub3A : i32
      %mul3A_583 = arith.constant 128 : i32
      %mul3A_584 = arith.muli %sub3A_582, %mul3A_583 : i32
      %add3A_585 = arith.addi %mul3A_2, %mul3A_584 : i32
      %dma_wait3A_586 = arith.constant 3 : i32
      %dma_wait3A_587 = arith.constant 0 : i32
      %dma_wait3A_588 = arith.constant 0 : i32
      %dma_wait3A_589 = tpu.memref_slice %arg6[%dma_wait3A_586, %dma_wait3A_587, %dma_wait3A_588] : memref<5x128x128xf32, #tpu.memory_space<vmem>> -> memref<1x128x128xf32, #tpu.memory_space<vmem>>
      %dma_wait3A_590 = tpu.memref_squeeze %dma_wait3A_589 : memref<1x128x128xf32, #tpu.memory_space<vmem>> -> memref<128x128xf32, #tpu.memory_space<vmem>>
      %dma_wait3A_591 = arith.constant 0 : i32
      %dma_wait3A_592 = tpu.memref_slice %arg4[%add3A_585, %dma_wait3A_591] : memref<819200x128xf32, #tpu.memory_space<hbm>> -> memref<128x128xf32, #tpu.memory_space<hbm>>
      %dma_wait3A_593 = arith.constant 0 : i32
      %dma_wait3A_594 = tpu.memref_slice %arg4[%add3A_585, %dma_wait3A_593] : memref<819200x128xf32, #tpu.memory_space<hbm>> -> memref<128x128xf32, #tpu.memory_space<hbm>>
      %dma_wait3A_595 = arith.constant 0 : i32
      %dma_wait3A_596 = arith.constant 0 : i32
      %dma_wait3A_597 = tpu.memref_slice %arg6[%dma_wait3A_586, %dma_wait3A_595, %dma_wait3A_596] : memref<5x128x128xf32, #tpu.memory_space<vmem>> -> memref<1x128x128xf32, #tpu.memory_space<vmem>>
      %dma_wait3A_598 = tpu.memref_squeeze %dma_wait3A_597 : memref<1x128x128xf32, #tpu.memory_space<vmem>> -> memref<128x128xf32, #tpu.memory_space<vmem>>
      tpu.wait_dma2 semaphore(%arg16 : memref<!tpu.dma_semaphore, #tpu.memory_space<semaphore_mem>>) src(%dma_wait3A_598 : memref<128x128xf32, #tpu.memory_space<vmem>>) dst(%dma_wait3A_594 : memref<128x128xf32, #tpu.memory_space<hbm>>)
      %add3A_599 = arith.constant 3 : i32
      %add3A_600 = arith.addi %add3A_554, %add3A_599 : i32
      %dma_start3A_601 = arith.constant 3 : i32
      %dma_start3A_602 = arith.constant 0 : i32
      %dma_start3A_603 = arith.constant 0 : i32
      %dma_start3A_604 = tpu.memref_slice %arg6[%dma_start3A_601, %dma_start3A_602, %dma_start3A_603] : memref<5x128x128xf32, #tpu.memory_space<vmem>> -> memref<1x128x128xf32, #tpu.memory_space<vmem>>
      %dma_start3A_605 = tpu.memref_squeeze %dma_start3A_604 : memref<1x128x128xf32, #tpu.memory_space<vmem>> -> memref<128x128xf32, #tpu.memory_space<vmem>>
      %dma_start3A_606 = arith.constant 0 : i32
      %dma_start3A_607 = tpu.memref_slice %arg5[%add3A_600, %dma_start3A_606] : memref<200x128xi32, #tpu.memory_space<vmem>> -> memref<1x128xi32, #tpu.memory_space<vmem>>
      %dma_start3A_608 = tpu.memref_squeeze %dma_start3A_607 : memref<1x128xi32, #tpu.memory_space<vmem>> -> memref<128xi32, #tpu.memory_space<vmem>>
      %dma_start3A_609 = arith.constant 0 : i32
      %dma_start3A_610 = arith.constant 0 : i32
      %dma_start3A_611 = tpu.memref_slice %arg7[%dma_start3A_609, %dma_start3A_610] : memref<1000x128xf32, #tpu.memory_space<vmem_shared>> -> memref<1000x128xf32, #tpu.memory_space<vmem_shared>>
      tpu.enqueue_indirect_dma source(%dma_start3A_611 : memref<1000x128xf32, #tpu.memory_space<vmem_shared>>) target(%dma_start3A_605 : memref<128x128xf32, #tpu.memory_space<vmem>>) offsets(%dma_start3A_608 : memref<128xi32, #tpu.memory_space<vmem>>) semaphore(%arg11 : memref<!tpu.dma_semaphore, #tpu.memory_space<semaphore_mem>>)
      %mul3A_612 = arith.constant 5 : i32
      %mul3A_613 = arith.muli %scan3A_550, %mul3A_612 : i32
      %add3A_614 = arith.constant 1 : i32
      %add3A_615 = arith.addi %mul3A_613, %add3A_614 : i32
      %dma_wait3A_616 = arith.constant 1 : i32
      %dma_wait3A_617 = arith.constant 0 : i32
      %dma_wait3A_618 = arith.constant 0 : i32
      %dma_wait3A_619 = tpu.memref_slice %arg6[%dma_wait3A_616, %dma_wait3A_617, %dma_wait3A_618] : memref<5x128x128xf32, #tpu.memory_space<vmem>> -> memref<1x128x128xf32, #tpu.memory_space<vmem>>
      %dma_wait3A_620 = tpu.memref_squeeze %dma_wait3A_619 : memref<1x128x128xf32, #tpu.memory_space<vmem>> -> memref<128x128xf32, #tpu.memory_space<vmem>>
      %dma_wait3A_621 = arith.constant 0 : i32
      %dma_wait3A_622 = tpu.memref_slice %arg5[%add3A_615, %dma_wait3A_621] : memref<200x128xi32, #tpu.memory_space<vmem>> -> memref<1x128xi32, #tpu.memory_space<vmem>>
      %dma_wait3A_623 = tpu.memref_squeeze %dma_wait3A_622 : memref<1x128xi32, #tpu.memory_space<vmem>> -> memref<128xi32, #tpu.memory_space<vmem>>
      %dma_wait3A_624 = arith.constant 0 : i32
      %dma_wait3A_625 = arith.constant 0 : i32
      %dma_wait3A_626 = tpu.memref_slice %arg7[%dma_wait3A_624, %dma_wait3A_625] : memref<1000x128xf32, #tpu.memory_space<vmem_shared>> -> memref<1000x128xf32, #tpu.memory_space<vmem_shared>>
      tpu.wait_indirect_dma semaphore(%arg9 : memref<!tpu.dma_semaphore, #tpu.memory_space<semaphore_mem>>) src(%dma_wait3A_626 : memref<1000x128xf32, #tpu.memory_space<vmem_shared>>) dst(%dma_wait3A_620 : memref<128x128xf32, #tpu.memory_space<vmem>>)
      %mul3A_627 = arith.constant 128 : i32
      %mul3A_628 = arith.muli %add3A_615, %mul3A_627 : i32
      %add3A_629 = arith.addi %mul3A_2, %mul3A_628 : i32
      %dma_start3A_630 = arith.constant 1 : i32
      %dma_start3A_631 = arith.constant 0 : i32
      %dma_start3A_632 = arith.constant 0 : i32
      %dma_start3A_633 = tpu.memref_slice %arg6[%dma_start3A_630, %dma_start3A_631, %dma_start3A_632] : memref<5x128x128xf32, #tpu.memory_space<vmem>> -> memref<1x128x128xf32, #tpu.memory_space<vmem>>
      %dma_start3A_634 = tpu.memref_squeeze %dma_start3A_633 : memref<1x128x128xf32, #tpu.memory_space<vmem>> -> memref<128x128xf32, #tpu.memory_space<vmem>>
      %dma_start3A_635 = arith.constant 0 : i32
      %dma_start3A_636 = tpu.memref_slice %arg4[%add3A_629, %dma_start3A_635] : memref<819200x128xf32, #tpu.memory_space<hbm>> -> memref<128x128xf32, #tpu.memory_space<hbm>>
      %dma_start3A_637 = arith.constant 0 : i32
      %dma_start3A_638 = tpu.memref_slice %arg4[%add3A_629, %dma_start3A_637] : memref<819200x128xf32, #tpu.memory_space<hbm>> -> memref<128x128xf32, #tpu.memory_space<hbm>>
      %dma_start3A_639 = arith.constant 0 : i32
      %dma_start3A_640 = arith.constant 0 : i32
      %dma_start3A_641 = tpu.memref_slice %arg6[%dma_start3A_630, %dma_start3A_639, %dma_start3A_640] : memref<5x128x128xf32, #tpu.memory_space<vmem>> -> memref<1x128x128xf32, #tpu.memory_space<vmem>>
      %dma_start3A_642 = tpu.memref_squeeze %dma_start3A_641 : memref<1x128x128xf32, #tpu.memory_space<vmem>> -> memref<128x128xf32, #tpu.memory_space<vmem>>
      tpu.enqueue_dma source(%dma_start3A_642 : memref<128x128xf32, #tpu.memory_space<vmem>>) target(%dma_start3A_638 : memref<128x128xf32, #tpu.memory_space<hbm>>) target_semaphore(%arg14 : memref<!tpu.dma_semaphore, #tpu.memory_space<semaphore_mem>>)
      %sub3A_643 = arith.constant 2 : i32
      %sub3A_644 = arith.subi %add3A_615, %sub3A_643 : i32
      %mul3A_645 = arith.constant 128 : i32
      %mul3A_646 = arith.muli %sub3A_644, %mul3A_645 : i32
      %add3A_647 = arith.addi %mul3A_2, %mul3A_646 : i32
      %dma_wait3A_648 = arith.constant 4 : i32
      %dma_wait3A_649 = arith.constant 0 : i32
      %dma_wait3A_650 = arith.constant 0 : i32
      %dma_wait3A_651 = tpu.memref_slice %arg6[%dma_wait3A_648, %dma_wait3A_649, %dma_wait3A_650] : memref<5x128x128xf32, #tpu.memory_space<vmem>> -> memref<1x128x128xf32, #tpu.memory_space<vmem>>
      %dma_wait3A_652 = tpu.memref_squeeze %dma_wait3A_651 : memref<1x128x128xf32, #tpu.memory_space<vmem>> -> memref<128x128xf32, #tpu.memory_space<vmem>>
      %dma_wait3A_653 = arith.constant 0 : i32
      %dma_wait3A_654 = tpu.memref_slice %arg4[%add3A_647, %dma_wait3A_653] : memref<819200x128xf32, #tpu.memory_space<hbm>> -> memref<128x128xf32, #tpu.memory_space<hbm>>
      %dma_wait3A_655 = arith.constant 0 : i32
      %dma_wait3A_656 = tpu.memref_slice %arg4[%add3A_647, %dma_wait3A_655] : memref<819200x128xf32, #tpu.memory_space<hbm>> -> memref<128x128xf32, #tpu.memory_space<hbm>>
      %dma_wait3A_657 = arith.constant 0 : i32
      %dma_wait3A_658 = arith.constant 0 : i32
      %dma_wait3A_659 = tpu.memref_slice %arg6[%dma_wait3A_648, %dma_wait3A_657, %dma_wait3A_658] : memref<5x128x128xf32, #tpu.memory_space<vmem>> -> memref<1x128x128xf32, #tpu.memory_space<vmem>>
      %dma_wait3A_660 = tpu.memref_squeeze %dma_wait3A_659 : memref<1x128x128xf32, #tpu.memory_space<vmem>> -> memref<128x128xf32, #tpu.memory_space<vmem>>
      tpu.wait_dma2 semaphore(%arg17 : memref<!tpu.dma_semaphore, #tpu.memory_space<semaphore_mem>>) src(%dma_wait3A_660 : memref<128x128xf32, #tpu.memory_space<vmem>>) dst(%dma_wait3A_656 : memref<128x128xf32, #tpu.memory_space<hbm>>)
      %add3A_661 = arith.constant 3 : i32
      %add3A_662 = arith.addi %add3A_615, %add3A_661 : i32
      %dma_start3A_663 = arith.constant 4 : i32
      %dma_start3A_664 = arith.constant 0 : i32
      %dma_start3A_665 = arith.constant 0 : i32
      %dma_start3A_666 = tpu.memref_slice %arg6[%dma_start3A_663, %dma_start3A_664, %dma_start3A_665] : memref<5x128x128xf32, #tpu.memory_space<vmem>> -> memref<1x128x128xf32, #tpu.memory_space<vmem>>
      %dma_start3A_667 = tpu.memref_squeeze %dma_start3A_666 : memref<1x128x128xf32, #tpu.memory_space<vmem>> -> memref<128x128xf32, #tpu.memory_space<vmem>>
      %dma_start3A_668 = arith.constant 0 : i32
      %dma_start3A_669 = tpu.memref_slice %arg5[%add3A_662, %dma_start3A_668] : memref<200x128xi32, #tpu.memory_space<vmem>> -> memref<1x128xi32, #tpu.memory_space<vmem>>
      %dma_start3A_670 = tpu.memref_squeeze %dma_start3A_669 : memref<1x128xi32, #tpu.memory_space<vmem>> -> memref<128xi32, #tpu.memory_space<vmem>>
      %dma_start3A_671 = arith.constant 0 : i32
      %dma_start3A_672 = arith.constant 0 : i32
      %dma_start3A_673 = tpu.memref_slice %arg7[%dma_start3A_671, %dma_start3A_672] : memref<1000x128xf32, #tpu.memory_space<vmem_shared>> -> memref<1000x128xf32, #tpu.memory_space<vmem_shared>>
      tpu.enqueue_indirect_dma source(%dma_start3A_673 : memref<1000x128xf32, #tpu.memory_space<vmem_shared>>) target(%dma_start3A_667 : memref<128x128xf32, #tpu.memory_space<vmem>>) offsets(%dma_start3A_670 : memref<128xi32, #tpu.memory_space<vmem>>) semaphore(%arg12 : memref<!tpu.dma_semaphore, #tpu.memory_space<semaphore_mem>>)
      %mul3A_674 = arith.constant 5 : i32
      %mul3A_675 = arith.muli %scan3A_550, %mul3A_674 : i32
      %add3A_676 = arith.constant 2 : i32
      %add3A_677 = arith.addi %mul3A_675, %add3A_676 : i32
      %dma_wait3A_678 = arith.constant 2 : i32
      %dma_wait3A_679 = arith.constant 0 : i32
      %dma_wait3A_680 = arith.constant 0 : i32
      %dma_wait3A_681 = tpu.memref_slice %arg6[%dma_wait3A_678, %dma_wait3A_679, %dma_wait3A_680] : memref<5x128x128xf32, #tpu.memory_space<vmem>> -> memref<1x128x128xf32, #tpu.memory_space<vmem>>
      %dma_wait3A_682 = tpu.memref_squeeze %dma_wait3A_681 : memref<1x128x128xf32, #tpu.memory_space<vmem>> -> memref<128x128xf32, #tpu.memory_space<vmem>>
      %dma_wait3A_683 = arith.constant 0 : i32
      %dma_wait3A_684 = tpu.memref_slice %arg5[%add3A_677, %dma_wait3A_683] : memref<200x128xi32, #tpu.memory_space<vmem>> -> memref<1x128xi32, #tpu.memory_space<vmem>>
      %dma_wait3A_685 = tpu.memref_squeeze %dma_wait3A_684 : memref<1x128xi32, #tpu.memory_space<vmem>> -> memref<128xi32, #tpu.memory_space<vmem>>
      %dma_wait3A_686 = arith.constant 0 : i32
      %dma_wait3A_687 = arith.constant 0 : i32
      %dma_wait3A_688 = tpu.memref_slice %arg7[%dma_wait3A_686, %dma_wait3A_687] : memref<1000x128xf32, #tpu.memory_space<vmem_shared>> -> memref<1000x128xf32, #tpu.memory_space<vmem_shared>>
      tpu.wait_indirect_dma semaphore(%arg10 : memref<!tpu.dma_semaphore, #tpu.memory_space<semaphore_mem>>) src(%dma_wait3A_688 : memref<1000x128xf32, #tpu.memory_space<vmem_shared>>) dst(%dma_wait3A_682 : memref<128x128xf32, #tpu.memory_space<vmem>>)
      %mul3A_689 = arith.constant 128 : i32
      %mul3A_690 = arith.muli %add3A_677, %mul3A_689 : i32
      %add3A_691 = arith.addi %mul3A_2, %mul3A_690 : i32
      %dma_start3A_692 = arith.constant 2 : i32
      %dma_start3A_693 = arith.constant 0 : i32
      %dma_start3A_694 = arith.constant 0 : i32
      %dma_start3A_695 = tpu.memref_slice %arg6[%dma_start3A_692, %dma_start3A_693, %dma_start3A_694] : memref<5x128x128xf32, #tpu.memory_space<vmem>> -> memref<1x128x128xf32, #tpu.memory_space<vmem>>
      %dma_start3A_696 = tpu.memref_squeeze %dma_start3A_695 : memref<1x128x128xf32, #tpu.memory_space<vmem>> -> memref<128x128xf32, #tpu.memory_space<vmem>>
      %dma_start3A_697 = arith.constant 0 : i32
      %dma_start3A_698 = tpu.memref_slice %arg4[%add3A_691, %dma_start3A_697] : memref<819200x128xf32, #tpu.memory_space<hbm>> -> memref<128x128xf32, #tpu.memory_space<hbm>>
      %dma_start3A_699 = arith.constant 0 : i32
      %dma_start3A_700 = tpu.memref_slice %arg4[%add3A_691, %dma_start3A_699] : memref<819200x128xf32, #tpu.memory_space<hbm>> -> memref<128x128xf32, #tpu.memory_space<hbm>>
      %dma_start3A_701 = arith.constant 0 : i32
      %dma_start3A_702 = arith.constant 0 : i32
      %dma_start3A_703 = tpu.memref_slice %arg6[%dma_start3A_692, %dma_start3A_701, %dma_start3A_702] : memref<5x128x128xf32, #tpu.memory_space<vmem>> -> memref<1x128x128xf32, #tpu.memory_space<vmem>>
      %dma_start3A_704 = tpu.memref_squeeze %dma_start3A_703 : memref<1x128x128xf32, #tpu.memory_space<vmem>> -> memref<128x128xf32, #tpu.memory_space<vmem>>
      tpu.enqueue_dma source(%dma_start3A_704 : memref<128x128xf32, #tpu.memory_space<vmem>>) target(%dma_start3A_700 : memref<128x128xf32, #tpu.memory_space<hbm>>) target_semaphore(%arg15 : memref<!tpu.dma_semaphore, #tpu.memory_space<semaphore_mem>>)
      %sub3A_705 = arith.constant 2 : i32
      %sub3A_706 = arith.subi %add3A_677, %sub3A_705 : i32
      %mul3A_707 = arith.constant 128 : i32
      %mul3A_708 = arith.muli %sub3A_706, %mul3A_707 : i32
      %add3A_709 = arith.addi %mul3A_2, %mul3A_708 : i32
      %dma_wait3A_710 = arith.constant 0 : i32
      %dma_wait3A_711 = arith.constant 0 : i32
      %dma_wait3A_712 = arith.constant 0 : i32
      %dma_wait3A_713 = tpu.memref_slice %arg6[%dma_wait3A_710, %dma_wait3A_711, %dma_wait3A_712] : memref<5x128x128xf32, #tpu.memory_space<vmem>> -> memref<1x128x128xf32, #tpu.memory_space<vmem>>
      %dma_wait3A_714 = tpu.memref_squeeze %dma_wait3A_713 : memref<1x128x128xf32, #tpu.memory_space<vmem>> -> memref<128x128xf32, #tpu.memory_space<vmem>>
      %dma_wait3A_715 = arith.constant 0 : i32
      %dma_wait3A_716 = tpu.memref_slice %arg4[%add3A_709, %dma_wait3A_715] : memref<819200x128xf32, #tpu.memory_space<hbm>> -> memref<128x128xf32, #tpu.memory_space<hbm>>
      %dma_wait3A_717 = arith.constant 0 : i32
      %dma_wait3A_718 = tpu.memref_slice %arg4[%add3A_709, %dma_wait3A_717] : memref<819200x128xf32, #tpu.memory_space<hbm>> -> memref<128x128xf32, #tpu.memory_space<hbm>>
      %dma_wait3A_719 = arith.constant 0 : i32
      %dma_wait3A_720 = arith.constant 0 : i32
      %dma_wait3A_721 = tpu.memref_slice %arg6[%dma_wait3A_710, %dma_wait3A_719, %dma_wait3A_720] : memref<5x128x128xf32, #tpu.memory_space<vmem>> -> memref<1x128x128xf32, #tpu.memory_space<vmem>>
      %dma_wait3A_722 = tpu.memref_squeeze %dma_wait3A_721 : memref<1x128x128xf32, #tpu.memory_space<vmem>> -> memref<128x128xf32, #tpu.memory_space<vmem>>
      tpu.wait_dma2 semaphore(%arg13 : memref<!tpu.dma_semaphore, #tpu.memory_space<semaphore_mem>>) src(%dma_wait3A_722 : memref<128x128xf32, #tpu.memory_space<vmem>>) dst(%dma_wait3A_718 : memref<128x128xf32, #tpu.memory_space<hbm>>)
      %add3A_723 = arith.constant 3 : i32
      %add3A_724 = arith.addi %add3A_677, %add3A_723 : i32
      %dma_start3A_725 = arith.constant 0 : i32
      %dma_start3A_726 = arith.constant 0 : i32
      %dma_start3A_727 = arith.constant 0 : i32
      %dma_start3A_728 = tpu.memref_slice %arg6[%dma_start3A_725, %dma_start3A_726, %dma_start3A_727] : memref<5x128x128xf32, #tpu.memory_space<vmem>> -> memref<1x128x128xf32, #tpu.memory_space<vmem>>
      %dma_start3A_729 = tpu.memref_squeeze %dma_start3A_728 : memref<1x128x128xf32, #tpu.memory_space<vmem>> -> memref<128x128xf32, #tpu.memory_space<vmem>>
      %dma_start3A_730 = arith.constant 0 : i32
      %dma_start3A_731 = tpu.memref_slice %arg5[%add3A_724, %dma_start3A_730] : memref<200x128xi32, #tpu.memory_space<vmem>> -> memref<1x128xi32, #tpu.memory_space<vmem>>
      %dma_start3A_732 = tpu.memref_squeeze %dma_start3A_731 : memref<1x128xi32, #tpu.memory_space<vmem>> -> memref<128xi32, #tpu.memory_space<vmem>>
      %dma_start3A_733 = arith.constant 0 : i32
      %dma_start3A_734 = arith.constant 0 : i32
      %dma_start3A_735 = tpu.memref_slice %arg7[%dma_start3A_733, %dma_start3A_734] : memref<1000x128xf32, #tpu.memory_space<vmem_shared>> -> memref<1000x128xf32, #tpu.memory_space<vmem_shared>>
      tpu.enqueue_indirect_dma source(%dma_start3A_735 : memref<1000x128xf32, #tpu.memory_space<vmem_shared>>) target(%dma_start3A_729 : memref<128x128xf32, #tpu.memory_space<vmem>>) offsets(%dma_start3A_732 : memref<128xi32, #tpu.memory_space<vmem>>) semaphore(%arg8 : memref<!tpu.dma_semaphore, #tpu.memory_space<semaphore_mem>>)
      %mul3A_736 = arith.constant 5 : i32
      %mul3A_737 = arith.muli %scan3A_550, %mul3A_736 : i32
      %add3A_738 = arith.constant 3 : i32
      %add3A_739 = arith.addi %mul3A_737, %add3A_738 : i32
      %dma_wait3A_740 = arith.constant 3 : i32
      %dma_wait3A_741 = arith.constant 0 : i32
      %dma_wait3A_742 = arith.constant 0 : i32
      %dma_wait3A_743 = tpu.memref_slice %arg6[%dma_wait3A_740, %dma_wait3A_741, %dma_wait3A_742] : memref<5x128x128xf32, #tpu.memory_space<vmem>> -> memref<1x128x128xf32, #tpu.memory_space<vmem>>
      %dma_wait3A_744 = tpu.memref_squeeze %dma_wait3A_743 : memref<1x128x128xf32, #tpu.memory_space<vmem>> -> memref<128x128xf32, #tpu.memory_space<vmem>>
      %dma_wait3A_745 = arith.constant 0 : i32
      %dma_wait3A_746 = tpu.memref_slice %arg5[%add3A_739, %dma_wait3A_745] : memref<200x128xi32, #tpu.memory_space<vmem>> -> memref<1x128xi32, #tpu.memory_space<vmem>>
      %dma_wait3A_747 = tpu.memref_squeeze %dma_wait3A_746 : memref<1x128xi32, #tpu.memory_space<vmem>> -> memref<128xi32, #tpu.memory_space<vmem>>
      %dma_wait3A_748 = arith.constant 0 : i32
      %dma_wait3A_749 = arith.constant 0 : i32
      %dma_wait3A_750 = tpu.memref_slice %arg7[%dma_wait3A_748, %dma_wait3A_749] : memref<1000x128xf32, #tpu.memory_space<vmem_shared>> -> memref<1000x128xf32, #tpu.memory_space<vmem_shared>>
      tpu.wait_indirect_dma semaphore(%arg11 : memref<!tpu.dma_semaphore, #tpu.memory_space<semaphore_mem>>) src(%dma_wait3A_750 : memref<1000x128xf32, #tpu.memory_space<vmem_shared>>) dst(%dma_wait3A_744 : memref<128x128xf32, #tpu.memory_space<vmem>>)
      %mul3A_751 = arith.constant 128 : i32
      %mul3A_752 = arith.muli %add3A_739, %mul3A_751 : i32
      %add3A_753 = arith.addi %mul3A_2, %mul3A_752 : i32
      %dma_start3A_754 = arith.constant 3 : i32
      %dma_start3A_755 = arith.constant 0 : i32
      %dma_start3A_756 = arith.constant 0 : i32
      %dma_start3A_757 = tpu.memref_slice %arg6[%dma_start3A_754, %dma_start3A_755, %dma_start3A_756] : memref<5x128x128xf32, #tpu.memory_space<vmem>> -> memref<1x128x128xf32, #tpu.memory_space<vmem>>
      %dma_start3A_758 = tpu.memref_squeeze %dma_start3A_757 : memref<1x128x128xf32, #tpu.memory_space<vmem>> -> memref<128x128xf32, #tpu.memory_space<vmem>>
      %dma_start3A_759 = arith.constant 0 : i32
      %dma_start3A_760 = tpu.memref_slice %arg4[%add3A_753, %dma_start3A_759] : memref<819200x128xf32, #tpu.memory_space<hbm>> -> memref<128x128xf32, #tpu.memory_space<hbm>>
      %dma_start3A_761 = arith.constant 0 : i32
      %dma_start3A_762 = tpu.memref_slice %arg4[%add3A_753, %dma_start3A_761] : memref<819200x128xf32, #tpu.memory_space<hbm>> -> memref<128x128xf32, #tpu.memory_space<hbm>>
      %dma_start3A_763 = arith.constant 0 : i32
      %dma_start3A_764 = arith.constant 0 : i32
      %dma_start3A_765 = tpu.memref_slice %arg6[%dma_start3A_754, %dma_start3A_763, %dma_start3A_764] : memref<5x128x128xf32, #tpu.memory_space<vmem>> -> memref<1x128x128xf32, #tpu.memory_space<vmem>>
      %dma_start3A_766 = tpu.memref_squeeze %dma_start3A_765 : memref<1x128x128xf32, #tpu.memory_space<vmem>> -> memref<128x128xf32, #tpu.memory_space<vmem>>
      tpu.enqueue_dma source(%dma_start3A_766 : memref<128x128xf32, #tpu.memory_space<vmem>>) target(%dma_start3A_762 : memref<128x128xf32, #tpu.memory_space<hbm>>) target_semaphore(%arg16 : memref<!tpu.dma_semaphore, #tpu.memory_space<semaphore_mem>>)
      %sub3A_767 = arith.constant 2 : i32
      %sub3A_768 = arith.subi %add3A_739, %sub3A_767 : i32
      %mul3A_769 = arith.constant 128 : i32
      %mul3A_770 = arith.muli %sub3A_768, %mul3A_769 : i32
      %add3A_771 = arith.addi %mul3A_2, %mul3A_770 : i32
      %dma_wait3A_772 = arith.constant 1 : i32
      %dma_wait3A_773 = arith.constant 0 : i32
      %dma_wait3A_774 = arith.constant 0 : i32
      %dma_wait3A_775 = tpu.memref_slice %arg6[%dma_wait3A_772, %dma_wait3A_773, %dma_wait3A_774] : memref<5x128x128xf32, #tpu.memory_space<vmem>> -> memref<1x128x128xf32, #tpu.memory_space<vmem>>
      %dma_wait3A_776 = tpu.memref_squeeze %dma_wait3A_775 : memref<1x128x128xf32, #tpu.memory_space<vmem>> -> memref<128x128xf32, #tpu.memory_space<vmem>>
      %dma_wait3A_777 = arith.constant 0 : i32
      %dma_wait3A_778 = tpu.memref_slice %arg4[%add3A_771, %dma_wait3A_777] : memref<819200x128xf32, #tpu.memory_space<hbm>> -> memref<128x128xf32, #tpu.memory_space<hbm>>
      %dma_wait3A_779 = arith.constant 0 : i32
      %dma_wait3A_780 = tpu.memref_slice %arg4[%add3A_771, %dma_wait3A_779] : memref<819200x128xf32, #tpu.memory_space<hbm>> -> memref<128x128xf32, #tpu.memory_space<hbm>>
      %dma_wait3A_781 = arith.constant 0 : i32
      %dma_wait3A_782 = arith.constant 0 : i32
      %dma_wait3A_783 = tpu.memref_slice %arg6[%dma_wait3A_772, %dma_wait3A_781, %dma_wait3A_782] : memref<5x128x128xf32, #tpu.memory_space<vmem>> -> memref<1x128x128xf32, #tpu.memory_space<vmem>>
      %dma_wait3A_784 = tpu.memref_squeeze %dma_wait3A_783 : memref<1x128x128xf32, #tpu.memory_space<vmem>> -> memref<128x128xf32, #tpu.memory_space<vmem>>
      tpu.wait_dma2 semaphore(%arg14 : memref<!tpu.dma_semaphore, #tpu.memory_space<semaphore_mem>>) src(%dma_wait3A_784 : memref<128x128xf32, #tpu.memory_space<vmem>>) dst(%dma_wait3A_780 : memref<128x128xf32, #tpu.memory_space<hbm>>)
      %add3A_785 = arith.constant 3 : i32
      %add3A_786 = arith.addi %add3A_739, %add3A_785 : i32
      %dma_start3A_787 = arith.constant 1 : i32
      %dma_start3A_788 = arith.constant 0 : i32
      %dma_start3A_789 = arith.constant 0 : i32
      %dma_start3A_790 = tpu.memref_slice %arg6[%dma_start3A_787, %dma_start3A_788, %dma_start3A_789] : memref<5x128x128xf32, #tpu.memory_space<vmem>> -> memref<1x128x128xf32, #tpu.memory_space<vmem>>
      %dma_start3A_791 = tpu.memref_squeeze %dma_start3A_790 : memref<1x128x128xf32, #tpu.memory_space<vmem>> -> memref<128x128xf32, #tpu.memory_space<vmem>>
      %dma_start3A_792 = arith.constant 0 : i32
      %dma_start3A_793 = tpu.memref_slice %arg5[%add3A_786, %dma_start3A_792] : memref<200x128xi32, #tpu.memory_space<vmem>> -> memref<1x128xi32, #tpu.memory_space<vmem>>
      %dma_start3A_794 = tpu.memref_squeeze %dma_start3A_793 : memref<1x128xi32, #tpu.memory_space<vmem>> -> memref<128xi32, #tpu.memory_space<vmem>>
      %dma_start3A_795 = arith.constant 0 : i32
      %dma_start3A_796 = arith.constant 0 : i32
      %dma_start3A_797 = tpu.memref_slice %arg7[%dma_start3A_795, %dma_start3A_796] : memref<1000x128xf32, #tpu.memory_space<vmem_shared>> -> memref<1000x128xf32, #tpu.memory_space<vmem_shared>>
      tpu.enqueue_indirect_dma source(%dma_start3A_797 : memref<1000x128xf32, #tpu.memory_space<vmem_shared>>) target(%dma_start3A_791 : memref<128x128xf32, #tpu.memory_space<vmem>>) offsets(%dma_start3A_794 : memref<128xi32, #tpu.memory_space<vmem>>) semaphore(%arg9 : memref<!tpu.dma_semaphore, #tpu.memory_space<semaphore_mem>>)
      %mul3A_798 = arith.constant 5 : i32
      %mul3A_799 = arith.muli %scan3A_550, %mul3A_798 : i32
      %add3A_800 = arith.constant 4 : i32
      %add3A_801 = arith.addi %mul3A_799, %add3A_800 : i32
      %dma_wait3A_802 = arith.constant 4 : i32
      %dma_wait3A_803 = arith.constant 0 : i32
      %dma_wait3A_804 = arith.constant 0 : i32
      %dma_wait3A_805 = tpu.memref_slice %arg6[%dma_wait3A_802, %dma_wait3A_803, %dma_wait3A_804] : memref<5x128x128xf32, #tpu.memory_space<vmem>> -> memref<1x128x128xf32, #tpu.memory_space<vmem>>
      %dma_wait3A_806 = tpu.memref_squeeze %dma_wait3A_805 : memref<1x128x128xf32, #tpu.memory_space<vmem>> -> memref<128x128xf32, #tpu.memory_space<vmem>>
      %dma_wait3A_807 = arith.constant 0 : i32
      %dma_wait3A_808 = tpu.memref_slice %arg5[%add3A_801, %dma_wait3A_807] : memref<200x128xi32, #tpu.memory_space<vmem>> -> memref<1x128xi32, #tpu.memory_space<vmem>>
      %dma_wait3A_809 = tpu.memref_squeeze %dma_wait3A_808 : memref<1x128xi32, #tpu.memory_space<vmem>> -> memref<128xi32, #tpu.memory_space<vmem>>
      %dma_wait3A_810 = arith.constant 0 : i32
      %dma_wait3A_811 = arith.constant 0 : i32
      %dma_wait3A_812 = tpu.memref_slice %arg7[%dma_wait3A_810, %dma_wait3A_811] : memref<1000x128xf32, #tpu.memory_space<vmem_shared>> -> memref<1000x128xf32, #tpu.memory_space<vmem_shared>>
      tpu.wait_indirect_dma semaphore(%arg12 : memref<!tpu.dma_semaphore, #tpu.memory_space<semaphore_mem>>) src(%dma_wait3A_812 : memref<1000x128xf32, #tpu.memory_space<vmem_shared>>) dst(%dma_wait3A_806 : memref<128x128xf32, #tpu.memory_space<vmem>>)
      %mul3A_813 = arith.constant 128 : i32
      %mul3A_814 = arith.muli %add3A_801, %mul3A_813 : i32
      %add3A_815 = arith.addi %mul3A_2, %mul3A_814 : i32
      %dma_start3A_816 = arith.constant 4 : i32
      %dma_start3A_817 = arith.constant 0 : i32
      %dma_start3A_818 = arith.constant 0 : i32
      %dma_start3A_819 = tpu.memref_slice %arg6[%dma_start3A_816, %dma_start3A_817, %dma_start3A_818] : memref<5x128x128xf32, #tpu.memory_space<vmem>> -> memref<1x128x128xf32, #tpu.memory_space<vmem>>
      %dma_start3A_820 = tpu.memref_squeeze %dma_start3A_819 : memref<1x128x128xf32, #tpu.memory_space<vmem>> -> memref<128x128xf32, #tpu.memory_space<vmem>>
      %dma_start3A_821 = arith.constant 0 : i32
      %dma_start3A_822 = tpu.memref_slice %arg4[%add3A_815, %dma_start3A_821] : memref<819200x128xf32, #tpu.memory_space<hbm>> -> memref<128x128xf32, #tpu.memory_space<hbm>>
      %dma_start3A_823 = arith.constant 0 : i32
      %dma_start3A_824 = tpu.memref_slice %arg4[%add3A_815, %dma_start3A_823] : memref<819200x128xf32, #tpu.memory_space<hbm>> -> memref<128x128xf32, #tpu.memory_space<hbm>>
      %dma_start3A_825 = arith.constant 0 : i32
      %dma_start3A_826 = arith.constant 0 : i32
      %dma_start3A_827 = tpu.memref_slice %arg6[%dma_start3A_816, %dma_start3A_825, %dma_start3A_826] : memref<5x128x128xf32, #tpu.memory_space<vmem>> -> memref<1x128x128xf32, #tpu.memory_space<vmem>>
      %dma_start3A_828 = tpu.memref_squeeze %dma_start3A_827 : memref<1x128x128xf32, #tpu.memory_space<vmem>> -> memref<128x128xf32, #tpu.memory_space<vmem>>
      tpu.enqueue_dma source(%dma_start3A_828 : memref<128x128xf32, #tpu.memory_space<vmem>>) target(%dma_start3A_824 : memref<128x128xf32, #tpu.memory_space<hbm>>) target_semaphore(%arg17 : memref<!tpu.dma_semaphore, #tpu.memory_space<semaphore_mem>>)
      %sub3A_829 = arith.constant 2 : i32
      %sub3A_830 = arith.subi %add3A_801, %sub3A_829 : i32
      %mul3A_831 = arith.constant 128 : i32
      %mul3A_832 = arith.muli %sub3A_830, %mul3A_831 : i32
      %add3A_833 = arith.addi %mul3A_2, %mul3A_832 : i32
      %dma_wait3A_834 = arith.constant 2 : i32
      %dma_wait3A_835 = arith.constant 0 : i32
      %dma_wait3A_836 = arith.constant 0 : i32
      %dma_wait3A_837 = tpu.memref_slice %arg6[%dma_wait3A_834, %dma_wait3A_835, %dma_wait3A_836] : memref<5x128x128xf32, #tpu.memory_space<vmem>> -> memref<1x128x128xf32, #tpu.memory_space<vmem>>
      %dma_wait3A_838 = tpu.memref_squeeze %dma_wait3A_837 : memref<1x128x128xf32, #tpu.memory_space<vmem>> -> memref<128x128xf32, #tpu.memory_space<vmem>>
      %dma_wait3A_839 = arith.constant 0 : i32
      %dma_wait3A_840 = tpu.memref_slice %arg4[%add3A_833, %dma_wait3A_839] : memref<819200x128xf32, #tpu.memory_space<hbm>> -> memref<128x128xf32, #tpu.memory_space<hbm>>
      %dma_wait3A_841 = arith.constant 0 : i32
      %dma_wait3A_842 = tpu.memref_slice %arg4[%add3A_833, %dma_wait3A_841] : memref<819200x128xf32, #tpu.memory_space<hbm>> -> memref<128x128xf32, #tpu.memory_space<hbm>>
      %dma_wait3A_843 = arith.constant 0 : i32
      %dma_wait3A_844 = arith.constant 0 : i32
      %dma_wait3A_845 = tpu.memref_slice %arg6[%dma_wait3A_834, %dma_wait3A_843, %dma_wait3A_844] : memref<5x128x128xf32, #tpu.memory_space<vmem>> -> memref<1x128x128xf32, #tpu.memory_space<vmem>>
      %dma_wait3A_846 = tpu.memref_squeeze %dma_wait3A_845 : memref<1x128x128xf32, #tpu.memory_space<vmem>> -> memref<128x128xf32, #tpu.memory_space<vmem>>
      tpu.wait_dma2 semaphore(%arg15 : memref<!tpu.dma_semaphore, #tpu.memory_space<semaphore_mem>>) src(%dma_wait3A_846 : memref<128x128xf32, #tpu.memory_space<vmem>>) dst(%dma_wait3A_842 : memref<128x128xf32, #tpu.memory_space<hbm>>)
      %add3A_847 = arith.constant 3 : i32
      %add3A_848 = arith.addi %add3A_801, %add3A_847 : i32
      %dma_start3A_849 = arith.constant 2 : i32
      %dma_start3A_850 = arith.constant 0 : i32
      %dma_start3A_851 = arith.constant 0 : i32
      %dma_start3A_852 = tpu.memref_slice %arg6[%dma_start3A_849, %dma_start3A_850, %dma_start3A_851] : memref<5x128x128xf32, #tpu.memory_space<vmem>> -> memref<1x128x128xf32, #tpu.memory_space<vmem>>
      %dma_start3A_853 = tpu.memref_squeeze %dma_start3A_852 : memref<1x128x128xf32, #tpu.memory_space<vmem>> -> memref<128x128xf32, #tpu.memory_space<vmem>>
      %dma_start3A_854 = arith.constant 0 : i32
      %dma_start3A_855 = tpu.memref_slice %arg5[%add3A_848, %dma_start3A_854] : memref<200x128xi32, #tpu.memory_space<vmem>> -> memref<1x128xi32, #tpu.memory_space<vmem>>
      %dma_start3A_856 = tpu.memref_squeeze %dma_start3A_855 : memref<1x128xi32, #tpu.memory_space<vmem>> -> memref<128xi32, #tpu.memory_space<vmem>>
      %dma_start3A_857 = arith.constant 0 : i32
      %dma_start3A_858 = arith.constant 0 : i32
      %dma_start3A_859 = tpu.memref_slice %arg7[%dma_start3A_857, %dma_start3A_858] : memref<1000x128xf32, #tpu.memory_space<vmem_shared>> -> memref<1000x128xf32, #tpu.memory_space<vmem_shared>>
      tpu.enqueue_indirect_dma source(%dma_start3A_859 : memref<1000x128xf32, #tpu.memory_space<vmem_shared>>) target(%dma_start3A_853 : memref<128x128xf32, #tpu.memory_space<vmem>>) offsets(%dma_start3A_856 : memref<128xi32, #tpu.memory_space<vmem>>) semaphore(%arg10 : memref<!tpu.dma_semaphore, #tpu.memory_space<semaphore_mem>>)
    }
    %scan3A_285 = arith.constant 38 : i32
    %dma_wait3A_286 = arith.constant 195 : i32
    %dma_wait3A_287 = arith.constant 0 : i32
    %dma_wait3A_288 = arith.constant 0 : i32
    %dma_wait3A_289 = arith.constant 0 : i32
    %dma_wait3A_290 = tpu.memref_slice %arg6[%dma_wait3A_287, %dma_wait3A_288, %dma_wait3A_289] : memref<5x128x128xf32, #tpu.memory_space<vmem>> -> memref<1x128x128xf32, #tpu.memory_space<vmem>>
    %dma_wait3A_291 = tpu.memref_squeeze %dma_wait3A_290 : memref<1x128x128xf32, #tpu.memory_space<vmem>> -> memref<128x128xf32, #tpu.memory_space<vmem>>
    %dma_wait3A_292 = arith.constant 0 : i32
    %dma_wait3A_293 = tpu.memref_slice %arg5[%dma_wait3A_286, %dma_wait3A_292] : memref<200x128xi32, #tpu.memory_space<vmem>> -> memref<1x128xi32, #tpu.memory_space<vmem>>
    %dma_wait3A_294 = tpu.memref_squeeze %dma_wait3A_293 : memref<1x128xi32, #tpu.memory_space<vmem>> -> memref<128xi32, #tpu.memory_space<vmem>>
    %dma_wait3A_295 = arith.constant 0 : i32
    %dma_wait3A_296 = arith.constant 0 : i32
    %dma_wait3A_297 = tpu.memref_slice %arg7[%dma_wait3A_295, %dma_wait3A_296] : memref<1000x128xf32, #tpu.memory_space<vmem_shared>> -> memref<1000x128xf32, #tpu.memory_space<vmem_shared>>
    tpu.wait_indirect_dma semaphore(%arg8 : memref<!tpu.dma_semaphore, #tpu.memory_space<semaphore_mem>>) src(%dma_wait3A_297 : memref<1000x128xf32, #tpu.memory_space<vmem_shared>>) dst(%dma_wait3A_291 : memref<128x128xf32, #tpu.memory_space<vmem>>)
    %add3A_298 = arith.constant 24960 : i32
    %add3A_299 = arith.addi %mul3A_2, %add3A_298 : i32
    %dma_start3A_300 = arith.constant 0 : i32
    %dma_start3A_301 = arith.constant 0 : i32
    %dma_start3A_302 = arith.constant 0 : i32
    %dma_start3A_303 = tpu.memref_slice %arg6[%dma_start3A_300, %dma_start3A_301, %dma_start3A_302] : memref<5x128x128xf32, #tpu.memory_space<vmem>> -> memref<1x128x128xf32, #tpu.memory_space<vmem>>
    %dma_start3A_304 = tpu.memref_squeeze %dma_start3A_303 : memref<1x128x128xf32, #tpu.memory_space<vmem>> -> memref<128x128xf32, #tpu.memory_space<vmem>>
    %dma_start3A_305 = arith.constant 0 : i32
    %dma_start3A_306 = tpu.memref_slice %arg4[%add3A_299, %dma_start3A_305] : memref<819200x128xf32, #tpu.memory_space<hbm>> -> memref<128x128xf32, #tpu.memory_space<hbm>>
    %dma_start3A_307 = arith.constant 0 : i32
    %dma_start3A_308 = tpu.memref_slice %arg4[%add3A_299, %dma_start3A_307] : memref<819200x128xf32, #tpu.memory_space<hbm>> -> memref<128x128xf32, #tpu.memory_space<hbm>>
    %dma_start3A_309 = arith.constant 0 : i32
    %dma_start3A_310 = arith.constant 0 : i32
    %dma_start3A_311 = tpu.memref_slice %arg6[%dma_start3A_300, %dma_start3A_309, %dma_start3A_310] : memref<5x128x128xf32, #tpu.memory_space<vmem>> -> memref<1x128x128xf32, #tpu.memory_space<vmem>>
    %dma_start3A_312 = tpu.memref_squeeze %dma_start3A_311 : memref<1x128x128xf32, #tpu.memory_space<vmem>> -> memref<128x128xf32, #tpu.memory_space<vmem>>
    tpu.enqueue_dma source(%dma_start3A_312 : memref<128x128xf32, #tpu.memory_space<vmem>>) target(%dma_start3A_308 : memref<128x128xf32, #tpu.memory_space<hbm>>) target_semaphore(%arg13 : memref<!tpu.dma_semaphore, #tpu.memory_space<semaphore_mem>>)
    %add3A_313 = arith.constant 24704 : i32
    %add3A_314 = arith.addi %mul3A_2, %add3A_313 : i32
    %dma_wait3A_315 = arith.constant 3 : i32
    %dma_wait3A_316 = arith.constant 0 : i32
    %dma_wait3A_317 = arith.constant 0 : i32
    %dma_wait3A_318 = tpu.memref_slice %arg6[%dma_wait3A_315, %dma_wait3A_316, %dma_wait3A_317] : memref<5x128x128xf32, #tpu.memory_space<vmem>> -> memref<1x128x128xf32, #tpu.memory_space<vmem>>
    %dma_wait3A_319 = tpu.memref_squeeze %dma_wait3A_318 : memref<1x128x128xf32, #tpu.memory_space<vmem>> -> memref<128x128xf32, #tpu.memory_space<vmem>>
    %dma_wait3A_320 = arith.constant 0 : i32
    %dma_wait3A_321 = tpu.memref_slice %arg4[%add3A_314, %dma_wait3A_320] : memref<819200x128xf32, #tpu.memory_space<hbm>> -> memref<128x128xf32, #tpu.memory_space<hbm>>
    %dma_wait3A_322 = arith.constant 0 : i32
    %dma_wait3A_323 = tpu.memref_slice %arg4[%add3A_314, %dma_wait3A_322] : memref<819200x128xf32, #tpu.memory_space<hbm>> -> memref<128x128xf32, #tpu.memory_space<hbm>>
    %dma_wait3A_324 = arith.constant 0 : i32
    %dma_wait3A_325 = arith.constant 0 : i32
    %dma_wait3A_326 = tpu.memref_slice %arg6[%dma_wait3A_315, %dma_wait3A_324, %dma_wait3A_325] : memref<5x128x128xf32, #tpu.memory_space<vmem>> -> memref<1x128x128xf32, #tpu.memory_space<vmem>>
    %dma_wait3A_327 = tpu.memref_squeeze %dma_wait3A_326 : memref<1x128x128xf32, #tpu.memory_space<vmem>> -> memref<128x128xf32, #tpu.memory_space<vmem>>
    tpu.wait_dma2 semaphore(%arg16 : memref<!tpu.dma_semaphore, #tpu.memory_space<semaphore_mem>>) src(%dma_wait3A_327 : memref<128x128xf32, #tpu.memory_space<vmem>>) dst(%dma_wait3A_323 : memref<128x128xf32, #tpu.memory_space<hbm>>)
    %dma_start3A_328 = arith.constant 198 : i32
    %dma_start3A_329 = arith.constant 3 : i32
    %dma_start3A_330 = arith.constant 0 : i32
    %dma_start3A_331 = arith.constant 0 : i32
    %dma_start3A_332 = tpu.memref_slice %arg6[%dma_start3A_329, %dma_start3A_330, %dma_start3A_331] : memref<5x128x128xf32, #tpu.memory_space<vmem>> -> memref<1x128x128xf32, #tpu.memory_space<vmem>>
    %dma_start3A_333 = tpu.memref_squeeze %dma_start3A_332 : memref<1x128x128xf32, #tpu.memory_space<vmem>> -> memref<128x128xf32, #tpu.memory_space<vmem>>
    %dma_start3A_334 = arith.constant 0 : i32
    %dma_start3A_335 = tpu.memref_slice %arg5[%dma_start3A_328, %dma_start3A_334] : memref<200x128xi32, #tpu.memory_space<vmem>> -> memref<1x128xi32, #tpu.memory_space<vmem>>
    %dma_start3A_336 = tpu.memref_squeeze %dma_start3A_335 : memref<1x128xi32, #tpu.memory_space<vmem>> -> memref<128xi32, #tpu.memory_space<vmem>>
    %dma_start3A_337 = arith.constant 0 : i32
    %dma_start3A_338 = arith.constant 0 : i32
    %dma_start3A_339 = tpu.memref_slice %arg7[%dma_start3A_337, %dma_start3A_338] : memref<1000x128xf32, #tpu.memory_space<vmem_shared>> -> memref<1000x128xf32, #tpu.memory_space<vmem_shared>>
    tpu.enqueue_indirect_dma source(%dma_start3A_339 : memref<1000x128xf32, #tpu.memory_space<vmem_shared>>) target(%dma_start3A_333 : memref<128x128xf32, #tpu.memory_space<vmem>>) offsets(%dma_start3A_336 : memref<128xi32, #tpu.memory_space<vmem>>) semaphore(%arg11 : memref<!tpu.dma_semaphore, #tpu.memory_space<semaphore_mem>>)
    %dma_wait3A_340 = arith.constant 196 : i32
    %dma_wait3A_341 = arith.constant 1 : i32
    %dma_wait3A_342 = arith.constant 0 : i32
    %dma_wait3A_343 = arith.constant 0 : i32
    %dma_wait3A_344 = tpu.memref_slice %arg6[%dma_wait3A_341, %dma_wait3A_342, %dma_wait3A_343] : memref<5x128x128xf32, #tpu.memory_space<vmem>> -> memref<1x128x128xf32, #tpu.memory_space<vmem>>
    %dma_wait3A_345 = tpu.memref_squeeze %dma_wait3A_344 : memref<1x128x128xf32, #tpu.memory_space<vmem>> -> memref<128x128xf32, #tpu.memory_space<vmem>>
    %dma_wait3A_346 = arith.constant 0 : i32
    %dma_wait3A_347 = tpu.memref_slice %arg5[%dma_wait3A_340, %dma_wait3A_346] : memref<200x128xi32, #tpu.memory_space<vmem>> -> memref<1x128xi32, #tpu.memory_space<vmem>>
    %dma_wait3A_348 = tpu.memref_squeeze %dma_wait3A_347 : memref<1x128xi32, #tpu.memory_space<vmem>> -> memref<128xi32, #tpu.memory_space<vmem>>
    %dma_wait3A_349 = arith.constant 0 : i32
    %dma_wait3A_350 = arith.constant 0 : i32
    %dma_wait3A_351 = tpu.memref_slice %arg7[%dma_wait3A_349, %dma_wait3A_350] : memref<1000x128xf32, #tpu.memory_space<vmem_shared>> -> memref<1000x128xf32, #tpu.memory_space<vmem_shared>>
    tpu.wait_indirect_dma semaphore(%arg9 : memref<!tpu.dma_semaphore, #tpu.memory_space<semaphore_mem>>) src(%dma_wait3A_351 : memref<1000x128xf32, #tpu.memory_space<vmem_shared>>) dst(%dma_wait3A_345 : memref<128x128xf32, #tpu.memory_space<vmem>>)
    %add3A_352 = arith.constant 25088 : i32
    %add3A_353 = arith.addi %mul3A_2, %add3A_352 : i32
    %dma_start3A_354 = arith.constant 1 : i32
    %dma_start3A_355 = arith.constant 0 : i32
    %dma_start3A_356 = arith.constant 0 : i32
    %dma_start3A_357 = tpu.memref_slice %arg6[%dma_start3A_354, %dma_start3A_355, %dma_start3A_356] : memref<5x128x128xf32, #tpu.memory_space<vmem>> -> memref<1x128x128xf32, #tpu.memory_space<vmem>>
    %dma_start3A_358 = tpu.memref_squeeze %dma_start3A_357 : memref<1x128x128xf32, #tpu.memory_space<vmem>> -> memref<128x128xf32, #tpu.memory_space<vmem>>
    %dma_start3A_359 = arith.constant 0 : i32
    %dma_start3A_360 = tpu.memref_slice %arg4[%add3A_353, %dma_start3A_359] : memref<819200x128xf32, #tpu.memory_space<hbm>> -> memref<128x128xf32, #tpu.memory_space<hbm>>
    %dma_start3A_361 = arith.constant 0 : i32
    %dma_start3A_362 = tpu.memref_slice %arg4[%add3A_353, %dma_start3A_361] : memref<819200x128xf32, #tpu.memory_space<hbm>> -> memref<128x128xf32, #tpu.memory_space<hbm>>
    %dma_start3A_363 = arith.constant 0 : i32
    %dma_start3A_364 = arith.constant 0 : i32
    %dma_start3A_365 = tpu.memref_slice %arg6[%dma_start3A_354, %dma_start3A_363, %dma_start3A_364] : memref<5x128x128xf32, #tpu.memory_space<vmem>> -> memref<1x128x128xf32, #tpu.memory_space<vmem>>
    %dma_start3A_366 = tpu.memref_squeeze %dma_start3A_365 : memref<1x128x128xf32, #tpu.memory_space<vmem>> -> memref<128x128xf32, #tpu.memory_space<vmem>>
    tpu.enqueue_dma source(%dma_start3A_366 : memref<128x128xf32, #tpu.memory_space<vmem>>) target(%dma_start3A_362 : memref<128x128xf32, #tpu.memory_space<hbm>>) target_semaphore(%arg14 : memref<!tpu.dma_semaphore, #tpu.memory_space<semaphore_mem>>)
    %add3A_367 = arith.constant 24832 : i32
    %add3A_368 = arith.addi %mul3A_2, %add3A_367 : i32
    %dma_wait3A_369 = arith.constant 4 : i32
    %dma_wait3A_370 = arith.constant 0 : i32
    %dma_wait3A_371 = arith.constant 0 : i32
    %dma_wait3A_372 = tpu.memref_slice %arg6[%dma_wait3A_369, %dma_wait3A_370, %dma_wait3A_371] : memref<5x128x128xf32, #tpu.memory_space<vmem>> -> memref<1x128x128xf32, #tpu.memory_space<vmem>>
    %dma_wait3A_373 = tpu.memref_squeeze %dma_wait3A_372 : memref<1x128x128xf32, #tpu.memory_space<vmem>> -> memref<128x128xf32, #tpu.memory_space<vmem>>
    %dma_wait3A_374 = arith.constant 0 : i32
    %dma_wait3A_375 = tpu.memref_slice %arg4[%add3A_368, %dma_wait3A_374] : memref<819200x128xf32, #tpu.memory_space<hbm>> -> memref<128x128xf32, #tpu.memory_space<hbm>>
    %dma_wait3A_376 = arith.constant 0 : i32
    %dma_wait3A_377 = tpu.memref_slice %arg4[%add3A_368, %dma_wait3A_376] : memref<819200x128xf32, #tpu.memory_space<hbm>> -> memref<128x128xf32, #tpu.memory_space<hbm>>
    %dma_wait3A_378 = arith.constant 0 : i32
    %dma_wait3A_379 = arith.constant 0 : i32
    %dma_wait3A_380 = tpu.memref_slice %arg6[%dma_wait3A_369, %dma_wait3A_378, %dma_wait3A_379] : memref<5x128x128xf32, #tpu.memory_space<vmem>> -> memref<1x128x128xf32, #tpu.memory_space<vmem>>
    %dma_wait3A_381 = tpu.memref_squeeze %dma_wait3A_380 : memref<1x128x128xf32, #tpu.memory_space<vmem>> -> memref<128x128xf32, #tpu.memory_space<vmem>>
    tpu.wait_dma2 semaphore(%arg17 : memref<!tpu.dma_semaphore, #tpu.memory_space<semaphore_mem>>) src(%dma_wait3A_381 : memref<128x128xf32, #tpu.memory_space<vmem>>) dst(%dma_wait3A_377 : memref<128x128xf32, #tpu.memory_space<hbm>>)
    %dma_start3A_382 = arith.constant 199 : i32
    %dma_start3A_383 = arith.constant 4 : i32
    %dma_start3A_384 = arith.constant 0 : i32
    %dma_start3A_385 = arith.constant 0 : i32
    %dma_start3A_386 = tpu.memref_slice %arg6[%dma_start3A_383, %dma_start3A_384, %dma_start3A_385] : memref<5x128x128xf32, #tpu.memory_space<vmem>> -> memref<1x128x128xf32, #tpu.memory_space<vmem>>
    %dma_start3A_387 = tpu.memref_squeeze %dma_start3A_386 : memref<1x128x128xf32, #tpu.memory_space<vmem>> -> memref<128x128xf32, #tpu.memory_space<vmem>>
    %dma_start3A_388 = arith.constant 0 : i32
    %dma_start3A_389 = tpu.memref_slice %arg5[%dma_start3A_382, %dma_start3A_388] : memref<200x128xi32, #tpu.memory_space<vmem>> -> memref<1x128xi32, #tpu.memory_space<vmem>>
    %dma_start3A_390 = tpu.memref_squeeze %dma_start3A_389 : memref<1x128xi32, #tpu.memory_space<vmem>> -> memref<128xi32, #tpu.memory_space<vmem>>
    %dma_start3A_391 = arith.constant 0 : i32
    %dma_start3A_392 = arith.constant 0 : i32
    %dma_start3A_393 = tpu.memref_slice %arg7[%dma_start3A_391, %dma_start3A_392] : memref<1000x128xf32, #tpu.memory_space<vmem_shared>> -> memref<1000x128xf32, #tpu.memory_space<vmem_shared>>
    tpu.enqueue_indirect_dma source(%dma_start3A_393 : memref<1000x128xf32, #tpu.memory_space<vmem_shared>>) target(%dma_start3A_387 : memref<128x128xf32, #tpu.memory_space<vmem>>) offsets(%dma_start3A_390 : memref<128xi32, #tpu.memory_space<vmem>>) semaphore(%arg12 : memref<!tpu.dma_semaphore, #tpu.memory_space<semaphore_mem>>)
    %dma_wait3A_394 = arith.constant 197 : i32
    %dma_wait3A_395 = arith.constant 2 : i32
    %dma_wait3A_396 = arith.constant 0 : i32
    %dma_wait3A_397 = arith.constant 0 : i32
    %dma_wait3A_398 = tpu.memref_slice %arg6[%dma_wait3A_395, %dma_wait3A_396, %dma_wait3A_397] : memref<5x128x128xf32, #tpu.memory_space<vmem>> -> memref<1x128x128xf32, #tpu.memory_space<vmem>>
    %dma_wait3A_399 = tpu.memref_squeeze %dma_wait3A_398 : memref<1x128x128xf32, #tpu.memory_space<vmem>> -> memref<128x128xf32, #tpu.memory_space<vmem>>
    %dma_wait3A_400 = arith.constant 0 : i32
    %dma_wait3A_401 = tpu.memref_slice %arg5[%dma_wait3A_394, %dma_wait3A_400] : memref<200x128xi32, #tpu.memory_space<vmem>> -> memref<1x128xi32, #tpu.memory_space<vmem>>
    %dma_wait3A_402 = tpu.memref_squeeze %dma_wait3A_401 : memref<1x128xi32, #tpu.memory_space<vmem>> -> memref<128xi32, #tpu.memory_space<vmem>>
    %dma_wait3A_403 = arith.constant 0 : i32
    %dma_wait3A_404 = arith.constant 0 : i32
    %dma_wait3A_405 = tpu.memref_slice %arg7[%dma_wait3A_403, %dma_wait3A_404] : memref<1000x128xf32, #tpu.memory_space<vmem_shared>> -> memref<1000x128xf32, #tpu.memory_space<vmem_shared>>
    tpu.wait_indirect_dma semaphore(%arg10 : memref<!tpu.dma_semaphore, #tpu.memory_space<semaphore_mem>>) src(%dma_wait3A_405 : memref<1000x128xf32, #tpu.memory_space<vmem_shared>>) dst(%dma_wait3A_399 : memref<128x128xf32, #tpu.memory_space<vmem>>)
    %add3A_406 = arith.constant 25216 : i32
    %add3A_407 = arith.addi %mul3A_2, %add3A_406 : i32
    %dma_start3A_408 = arith.constant 2 : i32
    %dma_start3A_409 = arith.constant 0 : i32
    %dma_start3A_410 = arith.constant 0 : i32
    %dma_start3A_411 = tpu.memref_slice %arg6[%dma_start3A_408, %dma_start3A_409, %dma_start3A_410] : memref<5x128x128xf32, #tpu.memory_space<vmem>> -> memref<1x128x128xf32, #tpu.memory_space<vmem>>
    %dma_start3A_412 = tpu.memref_squeeze %dma_start3A_411 : memref<1x128x128xf32, #tpu.memory_space<vmem>> -> memref<128x128xf32, #tpu.memory_space<vmem>>
    %dma_start3A_413 = arith.constant 0 : i32
    %dma_start3A_414 = tpu.memref_slice %arg4[%add3A_407, %dma_start3A_413] : memref<819200x128xf32, #tpu.memory_space<hbm>> -> memref<128x128xf32, #tpu.memory_space<hbm>>
    %dma_start3A_415 = arith.constant 0 : i32
    %dma_start3A_416 = tpu.memref_slice %arg4[%add3A_407, %dma_start3A_415] : memref<819200x128xf32, #tpu.memory_space<hbm>> -> memref<128x128xf32, #tpu.memory_space<hbm>>
    %dma_start3A_417 = arith.constant 0 : i32
    %dma_start3A_418 = arith.constant 0 : i32
    %dma_start3A_419 = tpu.memref_slice %arg6[%dma_start3A_408, %dma_start3A_417, %dma_start3A_418] : memref<5x128x128xf32, #tpu.memory_space<vmem>> -> memref<1x128x128xf32, #tpu.memory_space<vmem>>
    %dma_start3A_420 = tpu.memref_squeeze %dma_start3A_419 : memref<1x128x128xf32, #tpu.memory_space<vmem>> -> memref<128x128xf32, #tpu.memory_space<vmem>>
    tpu.enqueue_dma source(%dma_start3A_420 : memref<128x128xf32, #tpu.memory_space<vmem>>) target(%dma_start3A_416 : memref<128x128xf32, #tpu.memory_space<hbm>>) target_semaphore(%arg15 : memref<!tpu.dma_semaphore, #tpu.memory_space<semaphore_mem>>)
    %add3A_421 = arith.constant 24960 : i32
    %add3A_422 = arith.addi %mul3A_2, %add3A_421 : i32
    %dma_wait3A_423 = arith.constant 0 : i32
    %dma_wait3A_424 = arith.constant 0 : i32
    %dma_wait3A_425 = arith.constant 0 : i32
    %dma_wait3A_426 = tpu.memref_slice %arg6[%dma_wait3A_423, %dma_wait3A_424, %dma_wait3A_425] : memref<5x128x128xf32, #tpu.memory_space<vmem>> -> memref<1x128x128xf32, #tpu.memory_space<vmem>>
    %dma_wait3A_427 = tpu.memref_squeeze %dma_wait3A_426 : memref<1x128x128xf32, #tpu.memory_space<vmem>> -> memref<128x128xf32, #tpu.memory_space<vmem>>
    %dma_wait3A_428 = arith.constant 0 : i32
    %dma_wait3A_429 = tpu.memref_slice %arg4[%add3A_422, %dma_wait3A_428] : memref<819200x128xf32, #tpu.memory_space<hbm>> -> memref<128x128xf32, #tpu.memory_space<hbm>>
    %dma_wait3A_430 = arith.constant 0 : i32
    %dma_wait3A_431 = tpu.memref_slice %arg4[%add3A_422, %dma_wait3A_430] : memref<819200x128xf32, #tpu.memory_space<hbm>> -> memref<128x128xf32, #tpu.memory_space<hbm>>
    %dma_wait3A_432 = arith.constant 0 : i32
    %dma_wait3A_433 = arith.constant 0 : i32
    %dma_wait3A_434 = tpu.memref_slice %arg6[%dma_wait3A_423, %dma_wait3A_432, %dma_wait3A_433] : memref<5x128x128xf32, #tpu.memory_space<vmem>> -> memref<1x128x128xf32, #tpu.memory_space<vmem>>
    %dma_wait3A_435 = tpu.memref_squeeze %dma_wait3A_434 : memref<1x128x128xf32, #tpu.memory_space<vmem>> -> memref<128x128xf32, #tpu.memory_space<vmem>>
    tpu.wait_dma2 semaphore(%arg13 : memref<!tpu.dma_semaphore, #tpu.memory_space<semaphore_mem>>) src(%dma_wait3A_435 : memref<128x128xf32, #tpu.memory_space<vmem>>) dst(%dma_wait3A_431 : memref<128x128xf32, #tpu.memory_space<hbm>>)
    %dma_wait3A_436 = arith.constant 198 : i32
    %dma_wait3A_437 = arith.constant 3 : i32
    %dma_wait3A_438 = arith.constant 0 : i32
    %dma_wait3A_439 = arith.constant 0 : i32
    %dma_wait3A_440 = tpu.memref_slice %arg6[%dma_wait3A_437, %dma_wait3A_438, %dma_wait3A_439] : memref<5x128x128xf32, #tpu.memory_space<vmem>> -> memref<1x128x128xf32, #tpu.memory_space<vmem>>
    %dma_wait3A_441 = tpu.memref_squeeze %dma_wait3A_440 : memref<1x128x128xf32, #tpu.memory_space<vmem>> -> memref<128x128xf32, #tpu.memory_space<vmem>>
    %dma_wait3A_442 = arith.constant 0 : i32
    %dma_wait3A_443 = tpu.memref_slice %arg5[%dma_wait3A_436, %dma_wait3A_442] : memref<200x128xi32, #tpu.memory_space<vmem>> -> memref<1x128xi32, #tpu.memory_space<vmem>>
    %dma_wait3A_444 = tpu.memref_squeeze %dma_wait3A_443 : memref<1x128xi32, #tpu.memory_space<vmem>> -> memref<128xi32, #tpu.memory_space<vmem>>
    %dma_wait3A_445 = arith.constant 0 : i32
    %dma_wait3A_446 = arith.constant 0 : i32
    %dma_wait3A_447 = tpu.memref_slice %arg7[%dma_wait3A_445, %dma_wait3A_446] : memref<1000x128xf32, #tpu.memory_space<vmem_shared>> -> memref<1000x128xf32, #tpu.memory_space<vmem_shared>>
    tpu.wait_indirect_dma semaphore(%arg11 : memref<!tpu.dma_semaphore, #tpu.memory_space<semaphore_mem>>) src(%dma_wait3A_447 : memref<1000x128xf32, #tpu.memory_space<vmem_shared>>) dst(%dma_wait3A_441 : memref<128x128xf32, #tpu.memory_space<vmem>>)
    %add3A_448 = arith.constant 25344 : i32
    %add3A_449 = arith.addi %mul3A_2, %add3A_448 : i32
    %dma_start3A_450 = arith.constant 3 : i32
    %dma_start3A_451 = arith.constant 0 : i32
    %dma_start3A_452 = arith.constant 0 : i32
    %dma_start3A_453 = tpu.memref_slice %arg6[%dma_start3A_450, %dma_start3A_451, %dma_start3A_452] : memref<5x128x128xf32, #tpu.memory_space<vmem>> -> memref<1x128x128xf32, #tpu.memory_space<vmem>>
    %dma_start3A_454 = tpu.memref_squeeze %dma_start3A_453 : memref<1x128x128xf32, #tpu.memory_space<vmem>> -> memref<128x128xf32, #tpu.memory_space<vmem>>
    %dma_start3A_455 = arith.constant 0 : i32
    %dma_start3A_456 = tpu.memref_slice %arg4[%add3A_449, %dma_start3A_455] : memref<819200x128xf32, #tpu.memory_space<hbm>> -> memref<128x128xf32, #tpu.memory_space<hbm>>
    %dma_start3A_457 = arith.constant 0 : i32
    %dma_start3A_458 = tpu.memref_slice %arg4[%add3A_449, %dma_start3A_457] : memref<819200x128xf32, #tpu.memory_space<hbm>> -> memref<128x128xf32, #tpu.memory_space<hbm>>
    %dma_start3A_459 = arith.constant 0 : i32
    %dma_start3A_460 = arith.constant 0 : i32
    %dma_start3A_461 = tpu.memref_slice %arg6[%dma_start3A_450, %dma_start3A_459, %dma_start3A_460] : memref<5x128x128xf32, #tpu.memory_space<vmem>> -> memref<1x128x128xf32, #tpu.memory_space<vmem>>
    %dma_start3A_462 = tpu.memref_squeeze %dma_start3A_461 : memref<1x128x128xf32, #tpu.memory_space<vmem>> -> memref<128x128xf32, #tpu.memory_space<vmem>>
    tpu.enqueue_dma source(%dma_start3A_462 : memref<128x128xf32, #tpu.memory_space<vmem>>) target(%dma_start3A_458 : memref<128x128xf32, #tpu.memory_space<hbm>>) target_semaphore(%arg16 : memref<!tpu.dma_semaphore, #tpu.memory_space<semaphore_mem>>)
    %add3A_463 = arith.constant 25088 : i32
    %add3A_464 = arith.addi %mul3A_2, %add3A_463 : i32
    %dma_wait3A_465 = arith.constant 1 : i32
    %dma_wait3A_466 = arith.constant 0 : i32
    %dma_wait3A_467 = arith.constant 0 : i32
    %dma_wait3A_468 = tpu.memref_slice %arg6[%dma_wait3A_465, %dma_wait3A_466, %dma_wait3A_467] : memref<5x128x128xf32, #tpu.memory_space<vmem>> -> memref<1x128x128xf32, #tpu.memory_space<vmem>>
    %dma_wait3A_469 = tpu.memref_squeeze %dma_wait3A_468 : memref<1x128x128xf32, #tpu.memory_space<vmem>> -> memref<128x128xf32, #tpu.memory_space<vmem>>
    %dma_wait3A_470 = arith.constant 0 : i32
    %dma_wait3A_471 = tpu.memref_slice %arg4[%add3A_464, %dma_wait3A_470] : memref<819200x128xf32, #tpu.memory_space<hbm>> -> memref<128x128xf32, #tpu.memory_space<hbm>>
    %dma_wait3A_472 = arith.constant 0 : i32
    %dma_wait3A_473 = tpu.memref_slice %arg4[%add3A_464, %dma_wait3A_472] : memref<819200x128xf32, #tpu.memory_space<hbm>> -> memref<128x128xf32, #tpu.memory_space<hbm>>
    %dma_wait3A_474 = arith.constant 0 : i32
    %dma_wait3A_475 = arith.constant 0 : i32
    %dma_wait3A_476 = tpu.memref_slice %arg6[%dma_wait3A_465, %dma_wait3A_474, %dma_wait3A_475] : memref<5x128x128xf32, #tpu.memory_space<vmem>> -> memref<1x128x128xf32, #tpu.memory_space<vmem>>
    %dma_wait3A_477 = tpu.memref_squeeze %dma_wait3A_476 : memref<1x128x128xf32, #tpu.memory_space<vmem>> -> memref<128x128xf32, #tpu.memory_space<vmem>>
    tpu.wait_dma2 semaphore(%arg14 : memref<!tpu.dma_semaphore, #tpu.memory_space<semaphore_mem>>) src(%dma_wait3A_477 : memref<128x128xf32, #tpu.memory_space<vmem>>) dst(%dma_wait3A_473 : memref<128x128xf32, #tpu.memory_space<hbm>>)
    %dma_wait3A_478 = arith.constant 199 : i32
    %dma_wait3A_479 = arith.constant 4 : i32
    %dma_wait3A_480 = arith.constant 0 : i32
    %dma_wait3A_481 = arith.constant 0 : i32
    %dma_wait3A_482 = tpu.memref_slice %arg6[%dma_wait3A_479, %dma_wait3A_480, %dma_wait3A_481] : memref<5x128x128xf32, #tpu.memory_space<vmem>> -> memref<1x128x128xf32, #tpu.memory_space<vmem>>
    %dma_wait3A_483 = tpu.memref_squeeze %dma_wait3A_482 : memref<1x128x128xf32, #tpu.memory_space<vmem>> -> memref<128x128xf32, #tpu.memory_space<vmem>>
    %dma_wait3A_484 = arith.constant 0 : i32
    %dma_wait3A_485 = tpu.memref_slice %arg5[%dma_wait3A_478, %dma_wait3A_484] : memref<200x128xi32, #tpu.memory_space<vmem>> -> memref<1x128xi32, #tpu.memory_space<vmem>>
    %dma_wait3A_486 = tpu.memref_squeeze %dma_wait3A_485 : memref<1x128xi32, #tpu.memory_space<vmem>> -> memref<128xi32, #tpu.memory_space<vmem>>
    %dma_wait3A_487 = arith.constant 0 : i32
    %dma_wait3A_488 = arith.constant 0 : i32
    %dma_wait3A_489 = tpu.memref_slice %arg7[%dma_wait3A_487, %dma_wait3A_488] : memref<1000x128xf32, #tpu.memory_space<vmem_shared>> -> memref<1000x128xf32, #tpu.memory_space<vmem_shared>>
    tpu.wait_indirect_dma semaphore(%arg12 : memref<!tpu.dma_semaphore, #tpu.memory_space<semaphore_mem>>) src(%dma_wait3A_489 : memref<1000x128xf32, #tpu.memory_space<vmem_shared>>) dst(%dma_wait3A_483 : memref<128x128xf32, #tpu.memory_space<vmem>>)
    %add3A_490 = arith.constant 25472 : i32
    %add3A_491 = arith.addi %mul3A_2, %add3A_490 : i32
    %dma_start3A_492 = arith.constant 4 : i32
    %dma_start3A_493 = arith.constant 0 : i32
    %dma_start3A_494 = arith.constant 0 : i32
    %dma_start3A_495 = tpu.memref_slice %arg6[%dma_start3A_492, %dma_start3A_493, %dma_start3A_494] : memref<5x128x128xf32, #tpu.memory_space<vmem>> -> memref<1x128x128xf32, #tpu.memory_space<vmem>>
    %dma_start3A_496 = tpu.memref_squeeze %dma_start3A_495 : memref<1x128x128xf32, #tpu.memory_space<vmem>> -> memref<128x128xf32, #tpu.memory_space<vmem>>
    %dma_start3A_497 = arith.constant 0 : i32
    %dma_start3A_498 = tpu.memref_slice %arg4[%add3A_491, %dma_start3A_497] : memref<819200x128xf32, #tpu.memory_space<hbm>> -> memref<128x128xf32, #tpu.memory_space<hbm>>
    %dma_start3A_499 = arith.constant 0 : i32
    %dma_start3A_500 = tpu.memref_slice %arg4[%add3A_491, %dma_start3A_499] : memref<819200x128xf32, #tpu.memory_space<hbm>> -> memref<128x128xf32, #tpu.memory_space<hbm>>
    %dma_start3A_501 = arith.constant 0 : i32
    %dma_start3A_502 = arith.constant 0 : i32
    %dma_start3A_503 = tpu.memref_slice %arg6[%dma_start3A_492, %dma_start3A_501, %dma_start3A_502] : memref<5x128x128xf32, #tpu.memory_space<vmem>> -> memref<1x128x128xf32, #tpu.memory_space<vmem>>
    %dma_start3A_504 = tpu.memref_squeeze %dma_start3A_503 : memref<1x128x128xf32, #tpu.memory_space<vmem>> -> memref<128x128xf32, #tpu.memory_space<vmem>>
    tpu.enqueue_dma source(%dma_start3A_504 : memref<128x128xf32, #tpu.memory_space<vmem>>) target(%dma_start3A_500 : memref<128x128xf32, #tpu.memory_space<hbm>>) target_semaphore(%arg17 : memref<!tpu.dma_semaphore, #tpu.memory_space<semaphore_mem>>)
    %add3A_505 = arith.constant 25216 : i32
    %add3A_506 = arith.addi %mul3A_2, %add3A_505 : i32
    %dma_wait3A_507 = arith.constant 2 : i32
    %dma_wait3A_508 = arith.constant 0 : i32
    %dma_wait3A_509 = arith.constant 0 : i32
    %dma_wait3A_510 = tpu.memref_slice %arg6[%dma_wait3A_507, %dma_wait3A_508, %dma_wait3A_509] : memref<5x128x128xf32, #tpu.memory_space<vmem>> -> memref<1x128x128xf32, #tpu.memory_space<vmem>>
    %dma_wait3A_511 = tpu.memref_squeeze %dma_wait3A_510 : memref<1x128x128xf32, #tpu.memory_space<vmem>> -> memref<128x128xf32, #tpu.memory_space<vmem>>
    %dma_wait3A_512 = arith.constant 0 : i32
    %dma_wait3A_513 = tpu.memref_slice %arg4[%add3A_506, %dma_wait3A_512] : memref<819200x128xf32, #tpu.memory_space<hbm>> -> memref<128x128xf32, #tpu.memory_space<hbm>>
    %dma_wait3A_514 = arith.constant 0 : i32
    %dma_wait3A_515 = tpu.memref_slice %arg4[%add3A_506, %dma_wait3A_514] : memref<819200x128xf32, #tpu.memory_space<hbm>> -> memref<128x128xf32, #tpu.memory_space<hbm>>
    %dma_wait3A_516 = arith.constant 0 : i32
    %dma_wait3A_517 = arith.constant 0 : i32
    %dma_wait3A_518 = tpu.memref_slice %arg6[%dma_wait3A_507, %dma_wait3A_516, %dma_wait3A_517] : memref<5x128x128xf32, #tpu.memory_space<vmem>> -> memref<1x128x128xf32, #tpu.memory_space<vmem>>
    %dma_wait3A_519 = tpu.memref_squeeze %dma_wait3A_518 : memref<1x128x128xf32, #tpu.memory_space<vmem>> -> memref<128x128xf32, #tpu.memory_space<vmem>>
    tpu.wait_dma2 semaphore(%arg15 : memref<!tpu.dma_semaphore, #tpu.memory_space<semaphore_mem>>) src(%dma_wait3A_519 : memref<128x128xf32, #tpu.memory_space<vmem>>) dst(%dma_wait3A_515 : memref<128x128xf32, #tpu.memory_space<hbm>>)
    %add3A_520 = arith.constant 0 : i32
    %add3A_521 = arith.addi %mul3A_2, %add3A_520 : i32
    %dma_wait3A_522 = arith.constant 3 : i32
    %dma_wait3A_523 = arith.constant 0 : i32
    %dma_wait3A_524 = arith.constant 0 : i32
    %dma_wait3A_525 = tpu.memref_slice %arg6[%dma_wait3A_522, %dma_wait3A_523, %dma_wait3A_524] : memref<5x128x128xf32, #tpu.memory_space<vmem>> -> memref<1x128x128xf32, #tpu.memory_space<vmem>>
    %dma_wait3A_526 = tpu.memref_squeeze %dma_wait3A_525 : memref<1x128x128xf32, #tpu.memory_space<vmem>> -> memref<128x128xf32, #tpu.memory_space<vmem>>
    %dma_wait3A_527 = arith.constant 0 : i32
    %dma_wait3A_528 = tpu.memref_slice %arg4[%add3A_521, %dma_wait3A_527] : memref<819200x128xf32, #tpu.memory_space<hbm>> -> memref<128x128xf32, #tpu.memory_space<hbm>>
    %dma_wait3A_529 = arith.constant 0 : i32
    %dma_wait3A_530 = tpu.memref_slice %arg4[%add3A_521, %dma_wait3A_529] : memref<819200x128xf32, #tpu.memory_space<hbm>> -> memref<128x128xf32, #tpu.memory_space<hbm>>
    %dma_wait3A_531 = arith.constant 0 : i32
    %dma_wait3A_532 = arith.constant 0 : i32
    %dma_wait3A_533 = tpu.memref_slice %arg6[%dma_wait3A_522, %dma_wait3A_531, %dma_wait3A_532] : memref<5x128x128xf32, #tpu.memory_space<vmem>> -> memref<1x128x128xf32, #tpu.memory_space<vmem>>
    %dma_wait3A_534 = tpu.memref_squeeze %dma_wait3A_533 : memref<1x128x128xf32, #tpu.memory_space<vmem>> -> memref<128x128xf32, #tpu.memory_space<vmem>>
    tpu.wait_dma2 semaphore(%arg16 : memref<!tpu.dma_semaphore, #tpu.memory_space<semaphore_mem>>) src(%dma_wait3A_534 : memref<128x128xf32, #tpu.memory_space<vmem>>) dst(%dma_wait3A_530 : memref<128x128xf32, #tpu.memory_space<hbm>>)
    %add3A_535 = arith.constant 0 : i32
    %add3A_536 = arith.addi %mul3A_2, %add3A_535 : i32
    %dma_wait3A_537 = arith.constant 4 : i32
    %dma_wait3A_538 = arith.constant 0 : i32
    %dma_wait3A_539 = arith.constant 0 : i32
    %dma_wait3A_540 = tpu.memref_slice %arg6[%dma_wait3A_537, %dma_wait3A_538, %dma_wait3A_539] : memref<5x128x128xf32, #tpu.memory_space<vmem>> -> memref<1x128x128xf32, #tpu.memory_space<vmem>>
    %dma_wait3A_541 = tpu.memref_squeeze %dma_wait3A_540 : memref<1x128x128xf32, #tpu.memory_space<vmem>> -> memref<128x128xf32, #tpu.memory_space<vmem>>
    %dma_wait3A_542 = arith.constant 0 : i32
    %dma_wait3A_543 = tpu.memref_slice %arg4[%add3A_536, %dma_wait3A_542] : memref<819200x128xf32, #tpu.memory_space<hbm>> -> memref<128x128xf32, #tpu.memory_space<hbm>>
    %dma_wait3A_544 = arith.constant 0 : i32
    %dma_wait3A_545 = tpu.memref_slice %arg4[%add3A_536, %dma_wait3A_544] : memref<819200x128xf32, #tpu.memory_space<hbm>> -> memref<128x128xf32, #tpu.memory_space<hbm>>
    %dma_wait3A_546 = arith.constant 0 : i32
    %dma_wait3A_547 = arith.constant 0 : i32
    %dma_wait3A_548 = tpu.memref_slice %arg6[%dma_wait3A_537, %dma_wait3A_546, %dma_wait3A_547] : memref<5x128x128xf32, #tpu.memory_space<vmem>> -> memref<1x128x128xf32, #tpu.memory_space<vmem>>
    %dma_wait3A_549 = tpu.memref_squeeze %dma_wait3A_548 : memref<1x128x128xf32, #tpu.memory_space<vmem>> -> memref<128x128xf32, #tpu.memory_space<vmem>>
    tpu.wait_dma2 semaphore(%arg17 : memref<!tpu.dma_semaphore, #tpu.memory_space<semaphore_mem>>) src(%dma_wait3A_549 : memref<128x128xf32, #tpu.memory_space<vmem>>) dst(%dma_wait3A_545 : memref<128x128xf32, #tpu.memory_space<hbm>>)
    return
  }
}

</mosaic_0001>

<sc_bundles>
// kernel: kernel.3.cloned.1.call-start
scs
__scs_entry_jumppad:
0x0: {  	(pc) =	sbr.rel $0x88, $3  }
0x1: {  	(tag) =	ssettag $0x0;
	lr =	simm.s32 $0x1  }
0x2: {  	[smem:$0x3F9F] =	sst lr;
	_ =	strace $0xD0000000  }
0x3: {  	_ = 	snop  }
0x4: {  	_ = 	snop  }
0x5: {  	_ = 	snop  }
0x6: {  	_ = 	snop  }
0x7: {  	_ = 	snop  }
__scs_overlays_trampoline_lowered:
0x8: {  	[smem:$0x3FAE] =	sst s0  }
0x9: {  	[smem:$0x3FAF] =	sst s1  }
0xa: {  	[smem:$0x3FB0] =	sst s2  }
0xb: {  	[smem:$0x3FB1] =	sst s3  }
0xc: {  	[smem:$0x3FB2] =	sst s4  }
0xd: {  	[smem:$0x3FB3] =	sst s5  }
0xe: {  	[smem:$0x3FB4] =	sst s6  }
0xf: {  	[smem:$0x3FB5] =	sst s7  }
0x10: {  	[smem:$0x3FB6] =	sst s8  }
0x11: {  	[smem:$0x3FB7] =	sst s9;
	s0 =	simm.s32 @!p0 $0x0  }
0x12: {  	s1 =	sld [smem:$0x3F9D];
	s0 =	simm.s32 @p0 $0x1  }
0x13: {  	[smem:$0x3FB8] =	sst s0;
	s0 =	simm.s32 @!p1 $0x0  }
0x14: {  	s2 =	sld [smem:$0x3F9C];
	s0 =	simm.s32 @p1 $0x1  }
0x15: {  	[smem:$0x3FB9] =	sst s0;
	s0 =	simm.s32 @!p2 $0x0  }
0x16: {  	s3 =	sld [smem:$0x3FDB];
	s0 =	simm.s32 @p2 $0x1  }
0x17: {  	s4 =	simm.s32 $0x1BF5;
	[smem:$0x3FBB] =	sst s0  }
0x18: {  	s0 =	sld [smem:$0x3F9E];
	_ =	swait.ge [sflag:s4], $0x0  }
0x19: {  	s7 =	sld [smem:$0x3F9F]  }
0x1a: {  	s8 =	sadd.s32 $0xFFFFE003, lr  }
0x1b: {  	s9 =	sadd.s32 $0xFFFFFEF7, lr;
	s5 =	simm.s32 $0xFFFFFFFF;
	p2 =	slt.u32 s8, $0xFFFFF086  }
0x1c: {  	p1 =	slt.u32 s9, $0xF7A;
	s5 =	simm.s32 @!p2 $0x0  }
0x1d: {  	s5 =	simm.s32 @p1 $0x1;
	p0 =	seq.s32 s7, s2  }
0x1e: {  	s7 =	smul.u32 @!p0 $0xF7A, s2;
	p2 =	seq.s32 @!p0 s5, $0x0  }
0x1f: {  	s9 =	smul.u32 $0xF7A, s1;
	s8 =	simm.s32 @!p0 $0x1BF5;
	p2 =	por !p2, p0  }
0x20: {  	[sflag:s8] =	ssyncset.s32 @!p0 $0xFFFFF086;
	s6 =	sadd.s32 @!p0 s3, s7;
	s7 =	simm.s32 @!p0 $0x108  }
0x21: {  	s3 =	sadd.s32 s3, s9;
	s6 =	sadd.s32 @!p0 $0x88, s6;
	s7 =	simm.s32 @p2 $0x1082  }
0x22: {  	[simem:s7], [sflag:s8] =	dma.local @!p0 [hbm:s6], $0xF7A  }
0x23: {  	s9 =	sor.u32 $0xD0000000, s2;
	s6 =	simm.s32 $0x108;
	_ =	swait.ge @!p0 [sflag:s8], $0x0  }
0x24: {  	s3 =	sadd.s32 $0x88, s3;
	s6 =	simm.s32 @!p1 $0x1082;
	[sflag:s4] =	ssyncset.s32 $0xFFFFF086  }
0x25: {  	[simem:s6], [sflag:s4] =	dma.local [hbm:s3], $0xF7A  }
0x26: {  	[smem:$0x3F9F] =	sst s1;
	(tag) =	ssettag s2;
	_ =	strace s9  }
0x27: {  	s1 =	sld [smem:$0x3FAF]  }
0x28: {  	s2 =	sld [smem:$0x3FB0]  }
0x29: {  	s4 =	sld [smem:$0x3FB2]  }
0x2a: {  	p0 =	seq.s32 s5, $0x0;
	s5 =	sld [smem:$0x3FB3]  }
0x2b: {  	s6 =	sld [smem:$0x3FB4]  }
0x2c: {  	s7 =	sld [smem:$0x3FB5]  }
0x2d: {  	s3 =	simm.s32 $0x108;
	s8 =	sld [smem:$0x3FB6]  }
0x2e: {  	s3 =	simm.s32 @!p0 $0x1082;
	s9 =	sld [smem:$0x3FB7]  }
0x2f: {  	lr =	sadd.s32 s0, s3;
	s0 =	sld [smem:$0x3FAE]  }
0x30: {  	s3 =	sld [smem:$0x3FB1]  }
0x31: {  	[smem:$0x3FBA] =	sst s10  }
0x32: {  	s10 =	sld [smem:$0x3FB8];
	_ =	sdelay $0x3  }
0x33: {  	p0 =	seq.s32 s10, $0x1;
	s10 =	sld [smem:$0x3FBA];
	_ =	sdelay $0x3  }
0x34: {  	[smem:$0x3FBA] =	sst s10  }
0x35: {  	s10 =	sld [smem:$0x3FB9];
	_ =	sdelay $0x3  }
0x36: {  	p1 =	seq.s32 s10, $0x1;
	s10 =	sld [smem:$0x3FBA];
	_ =	sdelay $0x3  }
0x37: {  	[smem:$0x3FBA] =	sst s10  }
0x38: {  	s10 =	sld [smem:$0x3FBB]  }
0x39: {  	_ = 	snop;
	(pc) =	sbr.ind lr, $3  }
0x3a: {  	_ = 	snop  }
0x3b: {  	_ = 	snop  }
0x3c: {  	p2 =	seq.s32 s10, $0x1;
	s10 =	sld [smem:$0x3FBA]  }
0x3d: {  	_ =	shalt  }
0x3e: {  	_ =	shalt  }
0x3f: {  	_ =	shalt  }
0x40: {  	_ =	shalt  }
0x41: {  	_ =	shalt  }
0x42: {  	_ =	shalt  }
0x43: {  	_ =	shalt  }
0x44: {  	_ =	shalt  }
0x45: {  	_ =	shalt  }
0x46: {  	_ =	shalt  }
0x47: {  	_ =	shalt  }
0x48: {  	_ =	shalt  }
0x49: {  	_ =	shalt  }
0x4a: {  	_ =	shalt  }
0x4b: {  	_ =	shalt  }
0x4c: {  	_ =	shalt  }
0x4d: {  	_ =	shalt  }
0x4e: {  	_ =	shalt  }
0x4f: {  	_ =	shalt  }
0x50: {  	_ =	shalt  }
0x51: {  	_ =	shalt  }
0x52: {  	_ =	shalt  }
0x53: {  	_ =	shalt  }
0x54: {  	_ =	shalt  }
0x55: {  	_ =	shalt  }
0x56: {  	_ =	shalt  }
0x57: {  	_ =	shalt  }
0x58: {  	_ =	shalt  }
0x59: {  	_ =	shalt  }
0x5a: {  	_ =	shalt  }
0x5b: {  	_ =	shalt  }
0x5c: {  	_ =	shalt  }
0x5d: {  	_ =	shalt  }
0x5e: {  	_ =	shalt  }
0x5f: {  	_ =	shalt  }
0x60: {  	_ =	shalt  }
0x61: {  	_ =	shalt  }
0x62: {  	_ =	shalt  }
0x63: {  	_ =	shalt  }
0x64: {  	_ =	shalt  }
0x65: {  	_ =	shalt  }
0x66: {  	_ =	shalt  }
0x67: {  	_ =	shalt  }
0x68: {  	_ =	shalt  }
0x69: {  	_ =	shalt  }
0x6a: {  	_ =	shalt  }
0x6b: {  	_ =	shalt  }
0x6c: {  	_ =	shalt  }
0x6d: {  	_ =	shalt  }
0x6e: {  	_ =	shalt  }
0x6f: {  	_ =	shalt  }
0x70: {  	_ =	shalt  }
0x71: {  	_ =	shalt  }
0x72: {  	_ =	shalt  }
0x73: {  	_ =	shalt  }
0x74: {  	_ =	shalt  }
0x75: {  	_ =	shalt  }
0x76: {  	_ =	shalt  }
0x77: {  	_ =	shalt  }
0x78: {  	_ =	shalt  }
0x79: {  	_ =	shalt  }
0x7a: {  	_ =	shalt  }
0x7b: {  	_ =	shalt  }
0x7c: {  	_ =	shalt  }
0x7d: {  	_ =	shalt  }
0x7e: {  	_ =	shalt  }
0x7f: {  	_ =	shalt  }
0x80: {  	_ =	shalt  }
0x81: {  	_ =	shalt  }
0x82: {  	_ =	shalt  }
0x83: {  	_ =	shalt  }
0x84: {  	_ =	shalt  }
0x85: {  	_ =	shalt  }
0x86: {  	_ =	shalt  }
0x87: {  	_ =	shalt  }
.Lfunc_end0:
.L_simem_size_0:
called_computation_lowered:
.L_overlay_start_0:
0x88: {  	s2 =	sld [smem:$0x3FD9]  }
0x89: {  	s3 =	sld [smem:$0x3FFE];
	_ =	sdelay $0x1  }
0x8a: {  	s1 =	srdreg.scid  }
0x8b: {  	s0 =	sand.u32 $0x1, s1  }
0x8c: {  	s17 =	sshll.u32 s0, $0xA;
	s2 =	sadd.s32 s3, s2  }
0x8d: {  	s2 =	sadd.s32 s2, s17  }
0x8e: {  	[smem:$0x3FC6] =	sst s2  }
0x8f: {  	_ = 	snop  }
0x90: {  	s2 =	sld [smem:$0x3FC8]  }
0x91: {  	s18 =	sld [smem:$0x3FD0];
	(tm) =	ssettm $0x1  }
0x92: {  	s4 =	sld [smem:$0x3FFB];
	_ =	sdelay $0x3  }
0x93: {  	_ =	strace s4  }
0x94: {  	s4 =	sld [smem:$0x3FFC];
	_ =	sdelay $0x3  }
0x95: {  	_ =	strace s4  }
0x96: {  	s4 =	sld [smem:$0x3FFD];
	_ =	sdelay $0x3  }
0x97: {  	_ =	strace s4  }
0x98: {  	_ =	strace $0x8FFFFFFF  }
0x99: {  	s19 =	sld [smem:$0x3FDB];
	_ =	sdelay $0x1  }
0x9a: {  	s5 =	simm.s32 $_scs_section_size  }
0x9b: {  	s6 =	simm.s32 $_size__tile_overlayer_lowered;
	s7 =	simm.s32 $_tile_overlayer_lowered  }
0x9c: {  	s22 =	simm.s32 $0x1BFF;
	s21 =	sshll.u32 s7, $0x1;
	s4 =	sadd.s32 s5, s19  }
0x9d: {  	s8 =	simm.s32 $0x0;
	s20 =	sshll.u32 s6, $0x1;
	s6 =	sadd.s32 s21, s4  }
0x9e: {  	[timem:s8], [sflag:s22] =	dma.local [hbm:s6], s20  }
0x9f: {  	_ =	swait.ge [sflag:s22], s20  }
0xa0: {  	s5 =	ssub.s32 $0x0, s20;
	[sflag:s22] =	ssyncset.done $0x0  }
0xa1: {  	[sflag:s22] =	ssyncadd.s32 s5;
	_ =	sdelay $0x1  }
0xa2: {  	s23 =	simm.s32 $0x1B8B  }
0xa3: {  	_ =	swait.ge [sflag:s23], $0x1  }
0xa4: {  	[sflag:s23] =	ssyncset.done $0x0  }
0xa5: {  	s25 =	simm.s32 $0x1B8E;
	s24 =	sld [smem:$0x3FFE];
	[sflag:s23] =	ssyncadd.s32 $0xFFFFFFFF  }
0xa6: {  	s26 =	simm.s32 $execute0_lowered;
	[smem:$0x3FD2] =	sst s25  }
0xa7: {  	s6 =	sshll.u32 s26, $0x1;
	_ =	strace $0x80000046;
	[dreg:$0x1] =	wrdreg $0xFFFFFFFF  }
0xa8: {  	s28 =	simm.s32 $_size_execute0_lowered;
	s4 =	sadd.s32 s4, s6;
	[dreg:$0x0] =	wrdreg $0x0  }
0xa9: {  	s6 =	sshll.u32 s28, $0x1;
	[dreg:$0x2] =	wrdreg s4  }
0xaa: {  	[dreg:$0x3] =	wrdreg s6  }
0xab: {  	[dreg:$0x4] =	wrdreg $0xC0  }
0xac: {  	_ =	task [dreg:s8], $0x5FFFF  }
0xad: {  	[dreg:$0x1] =	wrdreg $0xFFFFFFFF  }
0xae: {  	[dreg:$0x0] =	wrdreg $0x60  }
0xaf: {  	[dreg:$0x2] =	wrdreg s2  }
0xb0: {  	[dreg:$0x3] =	wrdreg s24  }
0xb1: {  	[dreg:$0x4] =	wrdreg s18  }
0xb2: {  	[dreg:$0x5] =	wrdreg $0x1A4000  }
0xb3: {  	[dreg:$0x6] =	wrdreg $0x9  }
0xb4: {  	_ =	task.clear_ibuf [dreg:s8], $0x7FFFF;
	_ =	strace $0x90000046  }
0xb5: {  	s29 =	simm.s32 $0x9;
	_ =	strace $0x80000048  }
0xb6: {  	_ =	swait.ge [sflag:s29], $0x1  }
0xb7: {  	[sflag:s29] =	ssyncadd.s32 $0xFFFFFFFF  }
0xb8: {  	_ =	strace $0x90000048  }
0xb9: {  	_ =	sfence  }
0xba: {  	s30 =	sld [smem:$0x0];
	_ =	sdelay $0x2  }
0xbb: {  	s31 =	sshll.u32 s1, $0xD;
	s1 =	sshrl.u32 s1, $0x2  }
0xbc: {  	s3 =	sand.u32 $0x4000, s31;
	s1 =	sadd.s32 s1, s30  }
0xbd: {  	s0 =	sor.u32 s3, s0;
	s1 =	sshll.u32 s1, $0x11  }
0xbe: {  	s0 =	sor.u32 s1, s0  }
0xbf: {  	s0 =	sadd.s32 $0x8F2B, s0  }
0xc0: {  	[sflag:s0] =	ssyncadd.remote.s32 $0x1  }
0xc1: {  	_ =	sfence.sel $0xFFFF  }
0xc2: {  	[dreg:$0x0] =	wrdreg $0xFFFFFFFF;
	(pc) =	sbr.abs _section_cstart, $3  }
0xc3: {  	[dreg:$0x1] =	wrdreg $0xFFFFFFFF  }
0xc4: {  	_ =	task.clear_ibuf [dreg:s8], $0x2FFFF;
	_ =	strace $0x9FFFFFFF  }
0xc5: {  	(tm) =	ssettm $0x7FFFFFFF  }
tec
execute0_lowered:
.L_overlay_start_1:
0x0: {  	(tag) =	ssettag $0x1  }
0x1: {  	s0 =	rddreg [dreg:$0x1]  }
0x2: {  	s1 =	rddreg [dreg:$0x2]  }
0x3: {  	s3 =	srdreg.scid;
	s4 =	stileid.u32  }
0x4: {  	s2 =	rddreg [dreg:$0x3];
	s28 =	simm.s32 $0x2;
	s30 =	simm.s32 $0x16400  }
0x5: {  	s31 =	simm.s32 $0x3;
	s29 =	simm.s32 $0x8;
	s6 =	sand.u32 $0x1, s3  }
0x6: {  	s5 =	sshll.u32 s4, $0x1;
	s3 =	simm.s32 $0x0;
	s23 =	smul.u32 $0xC8000, s4  }
0x7: {  	s5 =	sor.u32 s6, s5;
	s8 =	ssub.s32 $0x2, s6;
	s6 =	smul.u32 $0x64000, s6  }
0x8: {  	p0 =	sne.s32 s4, $0x0;
	s4 =	simm.s32 $0x9;
	s7 =	smul.u32 $0xC80, s5  }
0x9: {  	[smem:$0x7FF] =	sst s3;
	s17 =	sshrl.u32 @!p0 s2, $0x3;
	s9 =	smul.u32 $0x64000, s5  }
0xa: {  	_ =	strace $0x80000047;
	s18 =	sshrl.u32 s8, $0x1;
	s0 =	sadd.s32 s7, s0  }
0xb: {  	s10 =	smul.u32 $0x320000, s5;
	s5 =	sadd.s32 s1, s9;
	s0 =	sadd.s32 $0x400, s0  }
0xc: {  	s7 =	ssub.s32 s8, s18;
	s19 =	sadd.s32 $0x800, s5;
	[dreg:$0x5] =	wrdreg s0  }
0xd: {  	s21 =	sshrl.u32 s10, $0x3;
	s20 =	sadd.s32 $0x1000, s5;
	[dreg:$0x6] =	wrdreg s19  }
0xe: {  	s18 =	simm.s32 $0xB;
	s22 =	sadd.s32 $0x1800, s5;
	[dreg:$0x7] =	wrdreg s20  }
0xf: {  	s9 =	sadd.s32 $0x2000, s5;
	s15 =	smax.u32 s7, $0x1;
	[dreg:$0x8] =	wrdreg s22  }
0x10: {  	s7 =	simm.s32 $0x0;
	s0 =	sadd.s32 s1, s21;
	[dreg:$0x9] =	wrdreg s9  }
0x11: {  	s1 =	sadd.s32 s23, s1;
	s19 =	simm.s32 $0x80;
	s20 =	simm.s32 $0x6400  }
0x12: {  	s21 =	simm.s32 $0xA400;
	s23 =	simm.s32 $0xE400;
	s22 =	simm.s32 $0x4  }
0x13: {  	s24 =	sadd.s32 $0x61800, s0;
	s25 =	sadd.s32 $0x62000, s0;
	s12 =	sadd.s32 $0x62800, s0  }
0x14: {  	s13 =	sadd.s32 $0x63000, s0;
	s14 =	sadd.s32 $0x63800, s0;
	s26 =	sadd.s32 s6, s1  }
0x15: {  	s1 =	simm.s32 $0x6;
	s0 =	simm.s32 $0x5;
	[dreg:$0xa] =	wrdreg s24  }
0x16: {  	s6 =	simm.s32 $0xA;
	[dreg:$0xb] =	wrdreg s25;
	s16 =	sadd.s32 $0x4800, s26  }
0x17: {  	s24 =	simm.s32 $0x1;
	s26 =	simm.s32 $0x12400;
	s25 =	simm.s32 $0x7  }
.LBB2_1:
0x18: {  	s8 =	simm.s32 @!p0 $0x1C0B;
	s9 =	rddreg [dreg:$0x0]  }
0x19: {  	[spmem:s17], [sflag:s8] =	dma.local @!p0 [hbm:s9], $0x3E80  }
0x1a: {  	s8 =	simm.s32 @!p0 $0xB  }
0x1b: {  	_ =	swait.ge @!p0 [sflag:s8], $0x3E80  }
0x1c: {  	[sflag:s8] =	ssyncset.done @!p0 $0x0  }
0x1d: {  	s11 =	rddreg [dreg:$0x5];
	[sflag:s8] =	ssyncadd.s32 @!p0 $0xFFFFC180  }
0x1e: {  	[tilespmem:s3], [sflag:$0xB] =	stream.linear.gather [hbm4b:s11+s3], $0x6400, $0x38;
	[tilespmem:$0x1C340] =	vst v63  }
0x1f: {  	_ =	swait.ge [sflag:s18], $0x6400  }
0x20: {  	[sflag:s18] =	ssyncset.done $0x0  }
0x21: {  	[sflag:s18] =	ssyncadd.s32 $0xFFFF9C00  }
0x22: {  	[bflag:$0x0] =	sbarrier.arrive $0xFFFF  }
0x23: {  	[tilespmem:s20], [sflag:$0x1] =	stream.indirect.gather [spmem:s2], $0x80, s3, s19, $0xb8;
	[tilespmem:$0x1C340] =	vst v63  }
0x24: {  	_ = 	snop  }
0x25: {  	[tilespmem:s21], [sflag:$0x2] =	stream.indirect.gather [spmem:s2], $0x80, s19, s19, $0xb8;
	[tilespmem:$0x1C340] =	vst v63  }
0x26: {  	s9 =	simm.s32 $0x100  }
0x27: {  	[tilespmem:s23], [sflag:$0x3] =	stream.indirect.gather [spmem:s2], $0x80, s9, s19, $0xb8;
	[tilespmem:$0x1C340] =	vst v63  }
0x28: {  	_ =	swait.ge [sflag:s24], $0x4000  }
0x29: {  	[sflag:s24] =	ssyncset.done $0x0  }
0x2a: {  	[sflag:s24] =	ssyncadd.s32 $0xFFFFC000  }
0x2b: {  	[hbm4b:s5+s3] =	stream.linear.scatter [tilespmem:s20], [sflag:$0x6], $0x4000, $0x38;
	[tilespmem:$0x1C340] =	vst v63  }
0x2c: {  	s10 =	simm.s32 $0x180  }
0x2d: {  	[tilespmem:s26], [sflag:$0x4] =	stream.indirect.gather [spmem:s2], $0x80, s10, s19, $0xb8;
	[tilespmem:$0x1C340] =	vst v63  }
0x2e: {  	_ =	swait.ge [sflag:s28], $0x4000  }
0x2f: {  	[sflag:s28] =	ssyncset.done $0x0  }
0x30: {  	s11 =	rddreg [dreg:$0x6];
	[sflag:s28] =	ssyncadd.s32 $0xFFFFC000  }
0x31: {  	[hbm4b:s11+s3] =	stream.linear.scatter [tilespmem:s21], [sflag:$0x7], $0x4000, $0x38;
	[tilespmem:$0x1C340] =	vst v63  }
0x32: {  	s9 =	simm.s32 $0x200  }
0x33: {  	[tilespmem:s30], [sflag:$0x5] =	stream.indirect.gather [spmem:s2], $0x80, s9, s19, $0xb8;
	[tilespmem:$0x1C340] =	vst v63  }
0x34: {  	_ =	swait.ge [sflag:s31], $0x4000  }
0x35: {  	[sflag:s31] =	ssyncset.done $0x0  }
0x36: {  	s10 =	rddreg [dreg:$0x7];
	[sflag:s31] =	ssyncadd.s32 $0xFFFFC000  }
0x37: {  	[hbm4b:s10+s3] =	stream.linear.scatter [tilespmem:s23], [sflag:$0x8], $0x4000, $0x38;
	[tilespmem:$0x1C340] =	vst v63  }
0x38: {  	_ =	swait.ge [sflag:s1], $0x4000  }
0x39: {  	[sflag:s1] =	ssyncset.done $0x0  }
0x3a: {  	s11 =	simm.s32 $0x280;
	[sflag:s1] =	ssyncadd.s32 $0xFFFFC000  }
0x3b: {  	[tilespmem:s20], [sflag:$0x1] =	stream.indirect.gather [spmem:s2], $0x80, s11, s19, $0xb8;
	[tilespmem:$0x1C340] =	vst v63  }
0x3c: {  	_ =	swait.ge [sflag:s22], $0x4000  }
0x3d: {  	[sflag:s22] =	ssyncset.done $0x0  }
0x3e: {  	s9 =	rddreg [dreg:$0x8];
	[sflag:s22] =	ssyncadd.s32 $0xFFFFC000  }
0x3f: {  	[hbm4b:s9+s3] =	stream.linear.scatter [tilespmem:s26], [sflag:$0x9], $0x4000, $0x38;
	[tilespmem:$0x1C340] =	vst v63  }
0x40: {  	_ =	swait.ge [sflag:s25], $0x4000  }
0x41: {  	[sflag:s25] =	ssyncset.done $0x0  }
0x42: {  	s10 =	simm.s32 $0x300;
	[sflag:s25] =	ssyncadd.s32 $0xFFFFC000  }
0x43: {  	[tilespmem:s21], [sflag:$0x2] =	stream.indirect.gather [spmem:s2], $0x80, s10, s19, $0xb8;
	[tilespmem:$0x1C340] =	vst v63  }
0x44: {  	_ =	swait.ge [sflag:s0], $0x4000  }
0x45: {  	[sflag:s0] =	ssyncset.done $0x0  }
0x46: {  	s11 =	rddreg [dreg:$0x9];
	[sflag:s0] =	ssyncadd.s32 $0xFFFFC000  }
0x47: {  	[hbm4b:s11+s3] =	stream.linear.scatter [tilespmem:s30], [sflag:$0xA], $0x4000, $0x38;
	[tilespmem:$0x1C340] =	vst v63  }
0x48: {  	_ =	swait.ge [sflag:s29], $0x4000  }
0x49: {  	[sflag:s29] =	ssyncset.done $0x0  }
0x4a: {  	s9 =	simm.s32 $0x380;
	[sflag:s29] =	ssyncadd.s32 $0xFFFFC000  }
0x4b: {  	[tilespmem:s23], [sflag:$0x3] =	stream.indirect.gather [spmem:s2], $0x80, s9, s19, $0xb8;
	[tilespmem:$0x1C340] =	vst v63  }
0x4c: {  	_ =	swait.ge [sflag:s24], $0x4000  }
0x4d: {  	[sflag:s24] =	ssyncset.done $0x0  }
0x4e: {  	s10 =	sadd.s32 $0xFFFFE000, s16;
	[sflag:s24] =	ssyncadd.s32 $0xFFFFC000  }
0x4f: {  	[hbm4b:s10+s3] =	stream.linear.scatter [tilespmem:s20], [sflag:$0x6], $0x4000, $0x38;
	[tilespmem:$0x1C340] =	vst v63  }
0x50: {  	_ =	swait.ge [sflag:s4], $0x4000  }
0x51: {  	[sflag:s4] =	ssyncset.done $0x0  }
0x52: {  	s11 =	simm.s32 $0x400;
	[sflag:s4] =	ssyncadd.s32 $0xFFFFC000  }
0x53: {  	[tilespmem:s26], [sflag:$0x4] =	stream.indirect.gather [spmem:s2], $0x80, s11, s19, $0xb8;
	[tilespmem:$0x1C340] =	vst v63  }
0x54: {  	_ =	swait.ge [sflag:s28], $0x4000  }
0x55: {  	[sflag:s28] =	ssyncset.done $0x0  }
0x56: {  	s9 =	sadd.s32 $0xFFFFE800, s16;
	[sflag:s28] =	ssyncadd.s32 $0xFFFFC000  }
0x57: {  	[hbm4b:s9+s3] =	stream.linear.scatter [tilespmem:s21], [sflag:$0x7], $0x4000, $0x38;
	[tilespmem:$0x1C340] =	vst v63  }
0x58: {  	_ =	swait.ge [sflag:s6], $0x4000  }
0x59: {  	[sflag:s6] =	ssyncset.done $0x0  }
0x5a: {  	s10 =	simm.s32 $0x480;
	[sflag:s6] =	ssyncadd.s32 $0xFFFFC000  }
0x5b: {  	[tilespmem:s30], [sflag:$0x5] =	stream.indirect.gather [spmem:s2], $0x80, s10, s19, $0xb8;
	[tilespmem:$0x1C340] =	vst v63  }
0x5c: {  	_ =	swait.ge [sflag:s31], $0x4000  }
0x5d: {  	[sflag:s31] =	ssyncset.done $0x0  }
0x5e: {  	s11 =	sadd.s32 $0xFFFFF000, s16;
	[sflag:s31] =	ssyncadd.s32 $0xFFFFC000  }
0x5f: {  	[hbm4b:s11+s3] =	stream.linear.scatter [tilespmem:s23], [sflag:$0x8], $0x4000, $0x38;
	[tilespmem:$0x1C340] =	vst v63  }
0x60: {  	_ =	swait.ge [sflag:s1], $0x4000  }
0x61: {  	[sflag:s1] =	ssyncset.done $0x0  }
0x62: {  	s9 =	simm.s32 $0x500;
	[sflag:s1] =	ssyncadd.s32 $0xFFFFC000  }
0x63: {  	[tilespmem:s20], [sflag:$0x1] =	stream.indirect.gather [spmem:s2], $0x80, s9, s19, $0xb8;
	[tilespmem:$0x1C340] =	vst v63  }
0x64: {  	_ =	swait.ge [sflag:s22], $0x4000  }
0x65: {  	[sflag:s22] =	ssyncset.done $0x0  }
0x66: {  	s10 =	sadd.s32 $0xFFFFF800, s16;
	[sflag:s22] =	ssyncadd.s32 $0xFFFFC000  }
0x67: {  	[hbm4b:s10+s3] =	stream.linear.scatter [tilespmem:s26], [sflag:$0x9], $0x4000, $0x38;
	[tilespmem:$0x1C340] =	vst v63  }
0x68: {  	_ =	swait.ge [sflag:s25], $0x4000  }
0x69: {  	[sflag:s25] =	ssyncset.done $0x0  }
0x6a: {  	s11 =	simm.s32 $0x580;
	[sflag:s25] =	ssyncadd.s32 $0xFFFFC000  }
0x6b: {  	[tilespmem:s21], [sflag:$0x2] =	stream.indirect.gather [spmem:s2], $0x80, s11, s19, $0xb8;
	[tilespmem:$0x1C340] =	vst v63  }
0x6c: {  	_ =	swait.ge [sflag:s0], $0x4000  }
0x6d: {  	[sflag:s0] =	ssyncset.done $0x0  }
0x6e: {  	[sflag:s0] =	ssyncadd.s32 $0xFFFFC000  }
0x6f: {  	[hbm4b:s16+s3] =	stream.linear.scatter [tilespmem:s30], [sflag:$0xA], $0x4000, $0x38;
	[tilespmem:$0x1C340] =	vst v63  }
0x70: {  	_ =	swait.ge [sflag:s29], $0x4000  }
0x71: {  	s8 =	simm.s32 $0xA00;
	[sflag:s29] =	ssyncset.done $0x0  }
0x72: {  	s9 =	sadd.s32 $0x2800, s16;
	s10 =	simm.s32 $0x600;
	[sflag:s29] =	ssyncadd.s32 $0xFFFFC000  }
.LBB2_2:
0x73: {  	[tilespmem:s23], [sflag:$0x3] =	stream.indirect.gather [spmem:s2], $0x80, s10, s19, $0xb8;
	[tilespmem:$0x1C340] =	vst v63  }
0x74: {  	s10 =	smov.u32 s8  }
0x75: {  	p1 =	sne.s32 s8, $0x17200;
	s8 =	sadd.s32 $0xA00, s8;
	_ =	swait.ge [sflag:s24], $0x4000  }
0x76: {  	[sflag:s24] =	ssyncset.done $0x0  }
0x77: {  	s11 =	sadd.s32 $0xFFFFE000, s9;
	[sflag:s24] =	ssyncadd.s32 $0xFFFFC000  }
0x78: {  	[hbm4b:s11+s3] =	stream.linear.scatter [tilespmem:s20], [sflag:$0x6], $0x4000, $0x38;
	[tilespmem:$0x1C340] =	vst v63  }
0x79: {  	_ =	swait.ge [sflag:s4], $0x4000  }
0x7a: {  	s10 =	sshra.s32 s10, $0x2;
	[sflag:s4] =	ssyncset.done $0x0  }
0x7b: {  	s11 =	sadd.s32 $0x400, s10;
	[sflag:s4] =	ssyncadd.s32 $0xFFFFC000  }
0x7c: {  	[tilespmem:s26], [sflag:$0x4] =	stream.indirect.gather [spmem:s2], $0x80, s11, s19, $0xb8;
	[tilespmem:$0x1C340] =	vst v63  }
0x7d: {  	_ =	swait.ge [sflag:s28], $0x4000  }
0x7e: {  	[sflag:s28] =	ssyncset.done $0x0  }
0x7f: {  	s11 =	sadd.s32 $0xFFFFE800, s9;
	[sflag:s28] =	ssyncadd.s32 $0xFFFFC000  }
0x80: {  	[hbm4b:s11+s3] =	stream.linear.scatter [tilespmem:s21], [sflag:$0x7], $0x4000, $0x38;
	[tilespmem:$0x1C340] =	vst v63  }
0x81: {  	_ =	swait.ge [sflag:s6], $0x4000  }
0x82: {  	[sflag:s6] =	ssyncset.done $0x0  }
0x83: {  	s11 =	sadd.s32 $0x480, s10;
	[sflag:s6] =	ssyncadd.s32 $0xFFFFC000  }
0x84: {  	[tilespmem:s30], [sflag:$0x5] =	stream.indirect.gather [spmem:s2], $0x80, s11, s19, $0xb8;
	[tilespmem:$0x1C340] =	vst v63  }
0x85: {  	_ =	swait.ge [sflag:s31], $0x4000  }
0x86: {  	[sflag:s31] =	ssyncset.done $0x0  }
0x87: {  	s11 =	sadd.s32 $0xFFFFF000, s9;
	[sflag:s31] =	ssyncadd.s32 $0xFFFFC000  }
0x88: {  	[hbm4b:s11+s3] =	stream.linear.scatter [tilespmem:s23], [sflag:$0x8], $0x4000, $0x38;
	[tilespmem:$0x1C340] =	vst v63  }
0x89: {  	_ =	swait.ge [sflag:s1], $0x4000  }
0x8a: {  	[sflag:s1] =	ssyncset.done $0x0  }
0x8b: {  	s11 =	sadd.s32 $0x500, s10;
	[sflag:s1] =	ssyncadd.s32 $0xFFFFC000  }
0x8c: {  	[tilespmem:s20], [sflag:$0x1] =	stream.indirect.gather [spmem:s2], $0x80, s11, s19, $0xb8;
	[tilespmem:$0x1C340] =	vst v63  }
0x8d: {  	_ =	swait.ge [sflag:s22], $0x4000  }
0x8e: {  	[sflag:s22] =	ssyncset.done $0x0  }
0x8f: {  	s11 =	sadd.s32 $0xFFFFF800, s9;
	[sflag:s22] =	ssyncadd.s32 $0xFFFFC000  }
0x90: {  	[hbm4b:s11+s3] =	stream.linear.scatter [tilespmem:s26], [sflag:$0x9], $0x4000, $0x38;
	[tilespmem:$0x1C340] =	vst v63  }
0x91: {  	_ =	swait.ge [sflag:s25], $0x4000  }
0x92: {  	[sflag:s25] =	ssyncset.done $0x0  }
0x93: {  	s11 =	sadd.s32 $0x580, s10;
	[sflag:s25] =	ssyncadd.s32 $0xFFFFC000  }
0x94: {  	[tilespmem:s21], [sflag:$0x2] =	stream.indirect.gather [spmem:s2], $0x80, s11, s19, $0xb8;
	[tilespmem:$0x1C340] =	vst v63  }
0x95: {  	_ =	swait.ge [sflag:s0], $0x4000  }
0x96: {  	[sflag:s0] =	ssyncset.done $0x0  }
.Ltmp0:
0x97: {  	[sflag:s0] =	ssyncadd.s32 $0xFFFFC000;
	(pc) =	sbr.rel @p1 .LBB2_2-.Ltmp0, $4  }
0x98: {  	[hbm4b:s9+s3] =	stream.linear.scatter [tilespmem:s30], [sflag:$0xA], $0x4000, $0x38;
	[tilespmem:$0x1C340] =	vst v63  }
0x99: {  	_ =	swait.ge [sflag:s29], $0x4000  }
0x9a: {  	[sflag:s29] =	ssyncset.done $0x0  }
0x9b: {  	s10 =	sadd.s32 $0x600, s10;
	s9 =	sadd.s32 $0x2800, s9;
	[sflag:s29] =	ssyncadd.s32 $0xFFFFC000  }
0x9c: {  	[tilespmem:s23], [sflag:$0x3] =	stream.indirect.gather [spmem:s2], $0x80, s10, s19, $0xb8;
	[tilespmem:$0x1C340] =	vst v63  }
0x9d: {  	_ =	swait.ge [sflag:s24], $0x4000  }
0x9e: {  	[sflag:s24] =	ssyncset.done $0x0  }
0x9f: {  	s8 =	rddreg [dreg:$0xa];
	[sflag:s24] =	ssyncadd.s32 $0xFFFFC000  }
0xa0: {  	[hbm4b:s8+s3] =	stream.linear.scatter [tilespmem:s20], [sflag:$0x6], $0x4000, $0x38;
	[tilespmem:$0x1C340] =	vst v63  }
0xa1: {  	_ =	swait.ge [sflag:s4], $0x4000  }
0xa2: {  	[sflag:s4] =	ssyncset.done $0x0  }
0xa3: {  	s9 =	simm.s32 $0x6300;
	[sflag:s4] =	ssyncadd.s32 $0xFFFFC000  }
0xa4: {  	[tilespmem:s26], [sflag:$0x4] =	stream.indirect.gather [spmem:s2], $0x80, s9, s19, $0xb8;
	[tilespmem:$0x1C340] =	vst v63  }
0xa5: {  	_ =	swait.ge [sflag:s28], $0x4000  }
0xa6: {  	[sflag:s28] =	ssyncset.done $0x0  }
0xa7: {  	s10 =	rddreg [dreg:$0xb];
	[sflag:s28] =	ssyncadd.s32 $0xFFFFC000  }
0xa8: {  	[hbm4b:s10+s3] =	stream.linear.scatter [tilespmem:s21], [sflag:$0x7], $0x4000, $0x38;
	[tilespmem:$0x1C340] =	vst v63  }
0xa9: {  	_ =	swait.ge [sflag:s6], $0x4000  }
0xaa: {  	[sflag:s6] =	ssyncset.done $0x0  }
0xab: {  	s11 =	simm.s32 $0x6380;
	[sflag:s6] =	ssyncadd.s32 $0xFFFFC000  }
0xac: {  	[tilespmem:s30], [sflag:$0x5] =	stream.indirect.gather [spmem:s2], $0x80, s11, s19, $0xb8;
	[tilespmem:$0x1C340] =	vst v63  }
0xad: {  	_ =	swait.ge [sflag:s31], $0x4000  }
0xae: {  	[sflag:s31] =	ssyncset.done $0x0  }
0xaf: {  	[sflag:s31] =	ssyncadd.s32 $0xFFFFC000  }
0xb0: {  	[hbm4b:s12+s3] =	stream.linear.scatter [tilespmem:s23], [sflag:$0x8], $0x4000, $0x38;
	[tilespmem:$0x1C340] =	vst v63  }
0xb1: {  	_ =	swait.ge [sflag:s1], $0x4000  }
0xb2: {  	[sflag:s1] =	ssyncset.done $0x0  }
0xb3: {  	[sflag:s1] =	ssyncadd.s32 $0xFFFFC000  }
0xb4: {  	_ =	swait.ge [sflag:s22], $0x4000  }
0xb5: {  	[sflag:s22] =	ssyncset.done $0x0  }
0xb6: {  	[sflag:s22] =	ssyncadd.s32 $0xFFFFC000  }
0xb7: {  	[hbm4b:s13+s3] =	stream.linear.scatter [tilespmem:s26], [sflag:$0x9], $0x4000, $0x38;
	[tilespmem:$0x1C340] =	vst v63  }
0xb8: {  	_ =	swait.ge [sflag:s25], $0x4000  }
0xb9: {  	[sflag:s25] =	ssyncset.done $0x0  }
0xba: {  	[sflag:s25] =	ssyncadd.s32 $0xFFFFC000  }
0xbb: {  	_ =	swait.ge [sflag:s0], $0x4000  }
0xbc: {  	[sflag:s0] =	ssyncset.done $0x0  }
0xbd: {  	[sflag:s0] =	ssyncadd.s32 $0xFFFFC000  }
0xbe: {  	[hbm4b:s14+s3] =	stream.linear.scatter [tilespmem:s30], [sflag:$0xA], $0x4000, $0x38;
	[tilespmem:$0x1C340] =	vst v63  }
0xbf: {  	_ =	swait.ge [sflag:s29], $0x4000  }
0xc0: {  	[sflag:s29] =	ssyncset.done $0x0  }
0xc1: {  	s7 =	sadd.s32 $0x1, s7;
	[sflag:s29] =	ssyncadd.s32 $0xFFFFC000  }
0xc2: {  	p1 =	sne.s32 s7, s15;
	_ =	swait.ge [sflag:s4], $0x4000  }
.Ltmp1:
0xc3: {  	[sflag:s4] =	ssyncset.done $0x0;
	(pc) =	sbr.rel @p1 .LBB2_1-.Ltmp1, $4  }
0xc4: {  	[sflag:s4] =	ssyncadd.s32 $0xFFFFC000  }
0xc5: {  	_ =	swait.ge [sflag:s6], $0x4000  }
0xc6: {  	[sflag:s6] =	ssyncset.done $0x0  }
0xc7: {  	[sflag:s6] =	ssyncadd.s32 $0xFFFFC000  }
0xc8: {  	_ =	sfence.sel $0x180000  }
0xc9: {  	[bflag:$0x0] =	sbarrier.arrive $0xFFFF  }
0xca: {  	_ =	strace $0x90000047  }
0xcb: {  	[bflag:$0x2] =	sbarrier.arrive $0xFFFF  }
0xcc: {  	s0 =	rddreg [dreg:$0x4]  }
0xcd: {  	s0 =	sadd.s32 @!p0 $0x100000, s0  }
0xce: {  	[sflag:s0] =	ssyncadd.tile.s32 @!p0 $0x1;
	_ =	shalt  }
.Lfunc_end2:
_tile_overlayer_lowered:
.L_overlay_start_2:
0xcf: {  	(tag) =	ssettag $0x2  }
0xd0: {  	s0 =	rddreg [dreg:$0x0];
	s2 =	stileid.u32  }
0xd1: {  	s1 =	rddreg [dreg:$0x1];
	p0 =	sne.s32 s2, $0x0  }
0xd2: {  	s3 =	rddreg [dreg:$0x2];
	[bflag:$0x3] =	sbarrier.arrive $0xFFFF;
	s2 =	simm.s32 @!p0 $0x1C0B  }
0xd3: {  	[timem:s3], [sflag:s2] =	dma.local @!p0 [hbm:s0], s1  }
0xd4: {  	s0 =	simm.s32 @!p0 $0xB  }
0xd5: {  	_ =	swait.ge @!p0 [sflag:s0], s1  }
0xd6: {  	s1 =	ssub.s32 @!p0 $0x0, s1;
	[sflag:s0] =	ssyncset.done @!p0 $0x0  }
0xd7: {  	[sflag:s0] =	ssyncadd.s32 @!p0 s1  }
0xd8: {  	[bflag:$0x3] =	sbarrier.arrive $0xFFFF  }
0xd9: {  	_ =	shalt  }

</sc_bundles>
